<compile_context>
chip_gen: v7x
topology: tpu7x:2x2x1
jax: 0.10.2.dev20260603
libtpu: 0.0.44.dev20260713+nightly
codegen_flags: <defaults>
</compile_context>

<pallas_src>
import functools

import jax
import jax.numpy as jnp
from jax import lax
from jax.experimental import pallas as pl
from jax.experimental.pallas import tpu as pltpu
from jax.experimental.pallas import tpu_sc as plsc

N = 10000
D = 256
E = 160000

NC = 2
NS = 16
LANES = 16

NPAD = 10240
HALF = NPAD // NC
ROWS_PER_TILE = HALF // NS
EPAD = 163840
K = 128
ZROW = N
DUMMY = HALF


_sc_mesh = plsc.VectorSubcoreMesh(core_axis_name="c", subcore_axis_name="s")


@functools.partial(
    pl.kernel,
    out_type=jax.ShapeDtypeStruct((NC, NPAD), jnp.float32),
    mesh=_sc_mesh,
    scratch_types=[
        pltpu.VMEM((5120,), jnp.int32),
        pltpu.VMEM((K,), jnp.float32),
        pltpu.VMEM((K,), jnp.int32),
        pltpu.VMEM((NPAD // NS,), jnp.float32),
        pltpu.VMEM_SHARED((NPAD,), jnp.float32),
    ],
)
def _degree_kernel(dst_hbm, deg_out, dst_v, ones_v, idx_v, zero_v, deg_sp):
    c = lax.axis_index("c")
    s = lax.axis_index("s")
    wid = c * NS + s

    def _fill(i, _):
        zero_v[pl.ds(i * LANES, LANES)] = jnp.zeros((LANES,), jnp.float32)
        return 0

    lax.fori_loop(0, (NPAD // NS) // LANES, _fill, 0)
    pltpu.sync_copy(zero_v, deg_sp.at[pl.ds(s * (NPAD // NS), NPAD // NS)])

    def _fill1(i, _):
        ones_v[pl.ds(i * LANES, LANES)] = jnp.ones((LANES,), jnp.float32)
        return 0

    lax.fori_loop(0, K // LANES, _fill1, 0)
    pltpu.sync_copy(dst_hbm.at[wid], dst_v)
    plsc.subcore_barrier()

    def _chunk(j, _):
        def _cp(t, _):
            idx_v[pl.ds(t * LANES, LANES)] = dst_v[pl.ds(j * K + t * LANES, LANES)]
            return 0

        lax.fori_loop(0, K // LANES, _cp, 0)
        pltpu.sync_copy(ones_v, deg_sp.at[idx_v], add=True)
        return 0

    lax.fori_loop(0, 5120 // K, _chunk, 0)
    plsc.subcore_barrier()
    pltpu.sync_copy(deg_sp.at[pl.ds(s * (NPAD // NS), NPAD // NS)],
                    deg_out.at[c, pl.ds(s * (NPAD // NS), NPAD // NS)])



SEG = 1024
EPT = EPAD // NS
KE = 32
_ACC_WORDS = (HALF + NS) * D


@functools.partial(
    pl.kernel,
    out_type=jax.ShapeDtypeStruct((NPAD * D,), jnp.float32),
    mesh=_sc_mesh,
    scratch_types=[
        pltpu.VMEM((SEG,), jnp.int32),
        pltpu.VMEM((SEG,), jnp.int32),
        pltpu.VMEM((KE,), jnp.int32),
        pltpu.VMEM((KE,), jnp.int32),
        pltpu.VMEM((2, KE, D), jnp.float32),
        pltpu.VMEM((2, 2 * KE, K), jnp.int32),
        pltpu.VMEM_SHARED((_ACC_WORDS,), jnp.float32),
        pltpu.SemaphoreType.DMA,
        pltpu.SemaphoreType.DMA,
    ],
)
def _agg_kernel(zf_hbm, z2_hbm, src_hbm, dst_hbm, aggf_out,
                sseg_v, dseg_v, gidx_v, wb_v, rows_v, aidx_v, acc_sp, sem,
                gsem):
    c = lax.axis_index("c")
    s = lax.axis_index("s")
    nbase = c * HALF
    wslice = ROWS_PER_TILE * D
    ebase = s * EPT

    pltpu.sync_copy(zf_hbm.at[pl.ds((nbase + s * ROWS_PER_TILE) * D, wslice)],
                    acc_sp.at[pl.ds(s * ROWS_PER_TILE * D, wslice)])
    plsc.subcore_barrier()

    iota = lax.broadcasted_iota(jnp.int32, (LANES,), 0)

    def _segment(g, _):
        pltpu.sync_copy(src_hbm.at[pl.ds(ebase + g * SEG, SEG)], sseg_v)
        pltpu.sync_copy(dst_hbm.at[pl.ds(ebase + g * SEG, SEG)], dseg_v)

        def _chunk(j, _):
            def _prep(t, _):
                sl = pl.ds(j * KE + t * LANES, LANES)
                gidx_v[pl.ds(t * LANES, LANES)] = sseg_v[sl]
                d16 = dseg_v[sl]
                dl = d16 - nbase
                m = jnp.logical_and(dl >= 0, dl < HALF)
                wb_v[pl.ds(t * LANES, LANES)] = jnp.where(
                    m, dl, jnp.full((LANES,), HALF, jnp.int32) + s) * D
                return 0

            lax.fori_loop(0, KE // LANES, _prep, 0)
            b = jnp.bitwise_and(j, 1)
            gd = pltpu.async_copy(z2_hbm.at[gidx_v], rows_v.at[b], gsem)

            @pl.when(j >= 2)
            def _():
                pltpu.make_async_copy(z2_hbm.at[pl.ds(0, KE)],
                                      rows_v.at[b], sem).wait()

            def _build(e, _):
                wv = wb_v[pl.ds((e // LANES) * LANES, LANES)]
                wb_e = wv[jnp.full((LANES,), e % LANES, jnp.int32)]
                for q in range(D // LANES):
                    aidx_v[b, 2 * e + q // 8, pl.ds((q % 8) * LANES, LANES)] = (
                        wb_e + (q * LANES) + iota)
                return 0

            lax.fori_loop(0, KE, _build, 0)
            gd.wait()

            def _fire(e, _):
                pltpu.async_copy(rows_v.at[b, e, pl.ds(0, K)],
                                 acc_sp.at[aidx_v.at[b, 2 * e]], sem, add=True)
                pltpu.async_copy(rows_v.at[b, e, pl.ds(K, K)],
                                 acc_sp.at[aidx_v.at[b, 2 * e + 1]], sem,
                                 add=True)
                return 0

            lax.fori_loop(0, KE, _fire, 0)
            return 0

        lax.fori_loop(0, SEG // KE, _chunk, 0)
        pltpu.make_async_copy(z2_hbm.at[pl.ds(0, KE)], rows_v.at[0], sem).wait()
        pltpu.make_async_copy(z2_hbm.at[pl.ds(0, KE)], rows_v.at[1], sem).wait()
        return 0

    lax.fori_loop(0, EPT // SEG, _segment, 0)
    plsc.subcore_barrier()
    pltpu.sync_copy(acc_sp.at[pl.ds(s * ROWS_PER_TILE * D, wslice)],
                    aggf_out.at[pl.ds((nbase + s * ROWS_PER_TILE) * D, wslice)])




def _prep_body(x_ref, p_ref, deg_ref, score_ref, dinv_ref, z_ref):
    x = x_ref[...]
    p = p_ref[...]
    pn = jnp.sqrt(jnp.sum(p * p))
    sc = jnp.tanh(jax.lax.dot(x, p, preferred_element_type=jnp.float32) / pn)
    rows = lax.broadcasted_iota(jnp.int32, (NPAD, 1), 0)
    score_ref[...] = jnp.where(rows < N, sc, jnp.float32(-2.0))
    dg = deg_ref[...]
    deg = dg[:, 0:1] + dg[:, 1:2] + 1.0
    dinv = lax.rsqrt(deg)
    dinv_ref[...] = dinv
    z_ref[...] = x * dinv


def _prep(x_pad, p2, deg_t):
    return pl.pallas_call(
        _prep_body,
        out_shape=(
            jax.ShapeDtypeStruct((NPAD, 1), jnp.float32),
            jax.ShapeDtypeStruct((NPAD, 1), jnp.float32),
            jax.ShapeDtypeStruct((NPAD, D), jnp.float32),
        ),
    )(x_pad, p2, deg_t)




def _evolve_body(s_ref, x_ref, wih_ref, whh_ref, bih_ref, bhh_ref, w0_ref,
                 w_ref):
    S0 = s_ref[...]
    x = x_ref[...]
    flat = (lax.broadcasted_iota(jnp.int32, (80, 128), 0) * 128
            + lax.broadcasted_iota(jnp.int32, (80, 128), 1))
    lane = lax.broadcasted_iota(jnp.int32, (1, NPAD), 1)
    rowio = lax.broadcasted_iota(jnp.int32, (D, 1), 0)

    def _it(i, carry):
        S, Xt = carry
        m = jnp.max(S)
        idx = jnp.min(jnp.where(S == m, flat, jnp.int32(1 << 30)))
        onehot = (lane == idx).astype(jnp.float32)
        row = lax.dot_general(onehot, x, (((1,), (0,)), ((), ())),
                              preferred_element_type=jnp.float32) * m
        Xt = jnp.where(rowio == i, row, Xt)
        S = jnp.where(flat == idx, jnp.float32(-3e38), S)
        return S, Xt

    _, Xt = lax.fori_loop(0, D, _it, (S0, jnp.zeros((D, D), jnp.float32)))

    w0 = w0_ref[...]
    gi = lax.dot_general(Xt, wih_ref[...], (((1,), (1,)), ((), ())),
                         preferred_element_type=jnp.float32, precision=lax.Precision.HIGHEST) + bih_ref[...]
    gh = lax.dot_general(w0, whh_ref[...], (((1,), (1,)), ((), ())),
                         preferred_element_type=jnp.float32, precision=lax.Precision.HIGHEST) + bhh_ref[...]
    r = jax.nn.sigmoid(gi[:, 0:D] + gh[:, 0:D])
    z = jax.nn.sigmoid(gi[:, D:2 * D] + gh[:, D:2 * D])
    n = jnp.tanh(gi[:, 2 * D:3 * D] + r * gh[:, 2 * D:3 * D])
    w_ref[...] = (1.0 - z) * n + z * w0


def _evolve(score80, x_pad, wih, whh, bih2, bhh2, w0):
    return pl.pallas_call(
        _evolve_body,
        out_shape=jax.ShapeDtypeStruct((D, D), jnp.float32),
    )(score80, x_pad, wih, whh, bih2, bhh2, w0)



_BLK = 512


def _final_body(a_ref, dv_ref, w_ref, lw_ref, lb_ref, out_ref):
    t = jax.lax.dot(a_ref[...], w_ref[...],
                    preferred_element_type=jnp.float32, precision=lax.Precision.HIGHEST) * dv_ref[...]
    t = jnp.maximum(t, 0.0)
    out_ref[...] = lax.dot_general(t, lw_ref[...], (((1,), (1,)), ((), ())),
                                   preferred_element_type=jnp.float32, precision=lax.Precision.HIGHEST) + lb_ref[...]


def _final(agg, dinv, w, lin_w, lb2):
    return pl.pallas_call(
        _final_body,
        grid=(NPAD // _BLK,),
        in_specs=[
            pl.BlockSpec((_BLK, D), lambda i: (i, 0)),
            pl.BlockSpec((_BLK, 1), lambda i: (i, 0)),
            pl.BlockSpec((D, D), lambda i: (0, 0)),
            pl.BlockSpec((D, D), lambda i: (0, 0)),
            pl.BlockSpec((1, D), lambda i: (0, 0)),
        ],
        out_specs=pl.BlockSpec((_BLK, D), lambda i: (i, 0)),
        out_shape=jax.ShapeDtypeStruct((NPAD, D), jnp.float32),
    )(agg, dinv, w, lin_w, lb2)




def kernel(x, edge_index, pool_p, gru_W_ih, gru_W_hh, gru_b_ih, gru_b_hh,
           W0, lin_W, lin_b):
    src = edge_index[0]
    dst = edge_index[1]
    npad_rows = NPAD - N
    x_pad = jnp.concatenate(
        [x, jnp.zeros((npad_rows, D), jnp.float32)], axis=0)
    epad = EPAD - E
    src_p = jnp.concatenate([src, jnp.full((epad,), ZROW, jnp.int32)])
    dst_p = jnp.concatenate([dst, jnp.full((epad,), NPAD - 1, jnp.int32)])

    deg_parts = _degree_kernel(dst_p.reshape(NC * NS, EPAD // (NC * NS)))
    score, dinv, z = _prep(x_pad, pool_p.reshape(D, 1),
                           deg_parts.T.reshape(NPAD, NC))
    w = _evolve(score.reshape(80, 128), x_pad, gru_W_ih, gru_W_hh,
                gru_b_ih.reshape(1, 3 * D), gru_b_hh.reshape(1, 3 * D), W0)
    aggf = _agg_kernel(z.reshape(NPAD * D), z, src_p, dst_p)
    h = _final(aggf.reshape(NPAD, D), dinv, w, lin_W, lin_b.reshape(1, D))
    return h[:N]

# --- scband reference (transcript-rebuilt; emitter-appended) ---
"""Pipeline reference for scband-evolve-gcn-h-7327214207508 (READ-ONLY COPY).

The authoritative reference and input builder live on the scoring server;
editing this copy changes nothing except your own understanding.
"""

import jax, jax.numpy as jnp
import numpy as np

N = 10000
D = 256
E = 160000


def setup_inputs(seed: int = 0) -> dict:
    key = jax.random.key(seed)
    ks = jax.random.split(key, 12)
    x = jax.random.normal(ks[0], (N, D), dtype=jnp.float32)
    edge_index = jax.random.randint(ks[1], (2, E), 0, N, dtype=jnp.int32)
    # TopKPooling projection vector p
    pool_p = jax.random.uniform(ks[2], (D,), minval=-1.0, maxval=1.0, dtype=jnp.float32) * (1.0 / np.sqrt(D))
    # GRU parameters (input_size=D, hidden_size=D, 1 layer), torch layout: (3D, D)
    s = 1.0 / np.sqrt(D)
    gru_W_ih = jax.random.uniform(ks[3], (3 * D, D), minval=-s, maxval=s, dtype=jnp.float32)
    gru_W_hh = jax.random.uniform(ks[4], (3 * D, D), minval=-s, maxval=s, dtype=jnp.float32)
    gru_b_ih = jax.random.uniform(ks[5], (3 * D,), minval=-s, maxval=s, dtype=jnp.float32)
    gru_b_hh = jax.random.uniform(ks[6], (3 * D,), minval=-s, maxval=s, dtype=jnp.float32)
    # initial evolved GCN weight, glorot
    g = np.sqrt(6.0 / (D + D))
    W0 = jax.random.uniform(ks[7], (D, D), minval=-g, maxval=g, dtype=jnp.float32)
    # final Linear(D, D)
    lin_W = jax.random.uniform(ks[8], (D, D), minval=-s, maxval=s, dtype=jnp.float32)
    lin_b = jax.random.uniform(ks[9], (D,), minval=-s, maxval=s, dtype=jnp.float32)
    return {"x": x, "edge_index": edge_index, "pool_p": pool_p,
            "gru_W_ih": gru_W_ih, "gru_W_hh": gru_W_hh, "gru_b_ih": gru_b_ih, "gru_b_hh": gru_b_hh,
            "W0": W0, "lin_W": lin_W, "lin_b": lin_b}


def _gru_step(x_in, h, W_ih, W_hh, b_ih, b_hh):
    gi = x_in @ W_ih.T + b_ih
    gh = h @ W_hh.T + b_hh
    i_r, i_z, i_n = jnp.split(gi, 3, axis=1)
    h_r, h_z, h_n = jnp.split(gh, 3, axis=1)
    r = jax.nn.sigmoid(i_r + h_r)
    z = jax.nn.sigmoid(i_z + h_z)
    n = jnp.tanh(i_n + r * h_n)
    return (1.0 - z) * n + z * h


def reference(x, edge_index, pool_p, gru_W_ih, gru_W_hh, gru_b_ih, gru_b_hh, W0, lin_W, lin_b):
    n_nodes, d = x.shape
    # --- TopKPooling: select k = d node summaries ---
    score = (x @ pool_p) / jnp.linalg.norm(pool_p)
    score = jnp.tanh(score)
    vals, perm = jax.lax.top_k(score, d)
    X_tilde = x[perm] * vals[:, None]            # (d, d)
    # --- GRU evolves the GCN weight matrix (batch=d, hidden=d, seq_len=1) ---
    W = _gru_step(X_tilde, W0, gru_W_ih, gru_W_hh, gru_b_ih, gru_b_hh)  # (d, d)
    # --- GCNConv_Fixed_W with symmetric normalization + self loops, no bias ---
    src = edge_index[0]
    dst = edge_index[1]
    loop = jnp.arange(n_nodes, dtype=src.dtype)
    src = jnp.concatenate([src, loop])
    dst = jnp.concatenate([dst, loop])
    ew = jnp.ones(src.shape[0], dtype=x.dtype)
    deg = jnp.zeros(n_nodes, dtype=x.dtype).at[dst].add(ew)
    dinv = jnp.where(deg > 0, jax.lax.rsqrt(jnp.maximum(deg, 1e-12)), 0.0)
    norm = dinv[src] * dinv[dst]
    xw = x @ W
    msgs = xw[src] * norm[:, None]
    h = jnp.zeros((n_nodes, d), dtype=x.dtype).at[dst].add(msgs)
    # --- relu + final Linear ---
    h = jax.nn.relu(h)
    h = h @ lin_W.T + lin_b
    return h

if __name__ == "__main__":
    import jax
    _d = setup_inputs()
    print(jax.jit(kernel)(*tuple(_d.values())))

</pallas_src>

<mosaic_0001>
#map = affine_map<(d0, d1) -> (0, 0)>
module attributes {stable_mosaic.version = 14 : i64} {
  func.func @_degree_kernel(%arg0: i32, %arg1: i32, %arg2: memref<32x5120xi32, #tpu.memory_space<hbm>>, %arg3: memref<2x10240xf32, #tpu.memory_space<hbm>>, %arg4: memref<5120xi32, #tpu.memory_space<vmem>>, %arg5: memref<128xf32, #tpu.memory_space<vmem>>, %arg6: memref<128xi32, #tpu.memory_space<vmem>>, %arg7: memref<640xf32, #tpu.memory_space<vmem>>, %arg8: memref<10240xf32, #tpu.memory_space<vmem_shared>>) attributes {dimension_semantics = [#tpu.dimension_semantics<core_parallel>, #tpu.dimension_semantics<subcore_parallel>], iteration_bounds = array<i64: 2, 16>, scalar_prefetch = 0 : i64, scratch_operands = 5 : i64, tpu.core_type = #tpu.core_type<sc_vector_subcore>, window_params = [{transform_indices = #map}, {transform_indices = #map}]} {
    %mul3A = arith.constant 16 : i32
    %mul3A_0 = arith.muli %arg0, %mul3A : i32
    %add3A = arith.addi %mul3A_0, %arg1 : i32
    %scan3A = arith.constant 0 : i32
    %scan3A_1 = arith.constant 0 : i32
    %scan3A_2 = arith.constant 40 : i32
    %scan3A_3 = arith.addi %scan3A_1, %scan3A_2 : i32
    %scan3A_4 = arith.constant 1 : i32
    %scan3A_5 = scf.for %scan3A_28 = %scan3A_1 to %scan3A_3 step %scan3A_4 iter_args(%scan3A_29 = %scan3A) -> (i32)  : i32 {
      %broadcast_in_dim3A = arith.constant 0.000000e+00 : f32
      %broadcast_in_dim3A_30 = vector.broadcast %broadcast_in_dim3A : f32 to vector<16xf32>
      %mul3A_31 = arith.constant 16 : i32
      %mul3A_32 = arith.muli %scan3A_28, %mul3A_31 : i32
      %swap3A = arith.index_cast %mul3A_32 : i32 to index
      %swap3A_33 = tpu.vector_load %arg7[%swap3A] {strides = array<i32>} : memref<640xf32, #tpu.memory_space<vmem>>, vector<16xf32>,
      %swap3A_34 = vector.shape_cast %swap3A_33 : vector<16xf32> to vector<16xf32>
      %swap3A_35 = vector.shape_cast %broadcast_in_dim3A_30 : vector<16xf32> to vector<16xf32>
      tpu.vector_store %arg7[%swap3A], %swap3A_35 {strides = array<i32>} : memref<640xf32, #tpu.memory_space<vmem>>, vector<16xf32>,
      %scan3A_36 = arith.constant 0 : i32
      scf.yield %scan3A_36 : i32
    }
    %scan3A_6 = arith.constant 40 : i32
    %mul3A_7 = arith.constant 640 : i32
    %mul3A_8 = arith.muli %arg1, %mul3A_7 : i32
    "tpu.region"() ({
      %run_scoped3A = tpu.sem_alloc : memref<!tpu.dma_semaphore, #tpu.memory_space<semaphore_mem>>
      %dma_start3A = tpu.memref_slice %arg8[%mul3A_8] : memref<10240xf32, #tpu.memory_space<vmem_shared>> -> memref<640xf32, #tpu.memory_space<vmem_shared>>
      %dma_start3A_28 = tpu.memref_slice %arg8[%mul3A_8] : memref<10240xf32, #tpu.memory_space<vmem_shared>> -> memref<640xf32, #tpu.memory_space<vmem_shared>>
      tpu.enqueue_dma source(%arg7 : memref<640xf32, #tpu.memory_space<vmem>>) target(%dma_start3A_28 : memref<640xf32, #tpu.memory_space<vmem_shared>>) target_semaphore(%run_scoped3A : memref<!tpu.dma_semaphore, #tpu.memory_space<semaphore_mem>>)
      %dma_wait3A = tpu.memref_slice %arg8[%mul3A_8] : memref<10240xf32, #tpu.memory_space<vmem_shared>> -> memref<640xf32, #tpu.memory_space<vmem_shared>>
      %dma_wait3A_29 = tpu.memref_slice %arg8[%mul3A_8] : memref<10240xf32, #tpu.memory_space<vmem_shared>> -> memref<640xf32, #tpu.memory_space<vmem_shared>>
      tpu.wait_dma2 semaphore(%run_scoped3A : memref<!tpu.dma_semaphore, #tpu.memory_space<semaphore_mem>>) src(%arg7 : memref<640xf32, #tpu.memory_space<vmem>>) dst(%dma_wait3A_29 : memref<640xf32, #tpu.memory_space<vmem_shared>>)
      tpu.yield
    }) : () -> ()
    %scan3A_9 = arith.constant 0 : i32
    %scan3A_10 = arith.constant 0 : i32
    %scan3A_11 = arith.constant 8 : i32
    %scan3A_12 = arith.addi %scan3A_10, %scan3A_11 : i32
    %scan3A_13 = arith.constant 1 : i32
    %scan3A_14 = scf.for %scan3A_28 = %scan3A_10 to %scan3A_12 step %scan3A_13 iter_args(%scan3A_29 = %scan3A_9) -> (i32)  : i32 {
      %broadcast_in_dim3A = arith.constant 1.000000e+00 : f32
      %broadcast_in_dim3A_30 = vector.broadcast %broadcast_in_dim3A : f32 to vector<16xf32>
      %mul3A_31 = arith.constant 16 : i32
      %mul3A_32 = arith.muli %scan3A_28, %mul3A_31 : i32
      %swap3A = arith.index_cast %mul3A_32 : i32 to index
      %swap3A_33 = tpu.vector_load %arg5[%swap3A] {strides = array<i32>} : memref<128xf32, #tpu.memory_space<vmem>>, vector<16xf32>,
      %swap3A_34 = vector.shape_cast %swap3A_33 : vector<16xf32> to vector<16xf32>
      %swap3A_35 = vector.shape_cast %broadcast_in_dim3A_30 : vector<16xf32> to vector<16xf32>
      tpu.vector_store %arg5[%swap3A], %swap3A_35 {strides = array<i32>} : memref<128xf32, #tpu.memory_space<vmem>>, vector<16xf32>,
      %scan3A_36 = arith.constant 0 : i32
      scf.yield %scan3A_36 : i32
    }
    %scan3A_15 = arith.constant 8 : i32
    "tpu.region"() ({
      %run_scoped3A = tpu.sem_alloc : memref<!tpu.dma_semaphore, #tpu.memory_space<semaphore_mem>>
      %dma_start3A = arith.constant 0 : i32
      %dma_start3A_28 = tpu.memref_slice %arg2[%add3A, %dma_start3A] : memref<32x5120xi32, #tpu.memory_space<hbm>> -> memref<1x5120xi32, #tpu.memory_space<hbm>>
      %dma_start3A_29 = tpu.memref_squeeze %dma_start3A_28 : memref<1x5120xi32, #tpu.memory_space<hbm>> -> memref<5120xi32, #tpu.memory_space<hbm>>
      %dma_start3A_30 = arith.constant 0 : i32
      %dma_start3A_31 = tpu.memref_slice %arg2[%add3A, %dma_start3A_30] : memref<32x5120xi32, #tpu.memory_space<hbm>> -> memref<1x5120xi32, #tpu.memory_space<hbm>>
      %dma_start3A_32 = tpu.memref_squeeze %dma_start3A_31 : memref<1x5120xi32, #tpu.memory_space<hbm>> -> memref<5120xi32, #tpu.memory_space<hbm>>
      tpu.enqueue_dma source(%dma_start3A_32 : memref<5120xi32, #tpu.memory_space<hbm>>) target(%arg4 : memref<5120xi32, #tpu.memory_space<vmem>>) target_semaphore(%run_scoped3A : memref<!tpu.dma_semaphore, #tpu.memory_space<semaphore_mem>>)
      %dma_wait3A = arith.constant 0 : i32
      %dma_wait3A_33 = tpu.memref_slice %arg2[%add3A, %dma_wait3A] : memref<32x5120xi32, #tpu.memory_space<hbm>> -> memref<1x5120xi32, #tpu.memory_space<hbm>>
      %dma_wait3A_34 = tpu.memref_squeeze %dma_wait3A_33 : memref<1x5120xi32, #tpu.memory_space<hbm>> -> memref<5120xi32, #tpu.memory_space<hbm>>
      %dma_wait3A_35 = arith.constant 0 : i32
      %dma_wait3A_36 = tpu.memref_slice %arg2[%add3A, %dma_wait3A_35] : memref<32x5120xi32, #tpu.memory_space<hbm>> -> memref<1x5120xi32, #tpu.memory_space<hbm>>
      %dma_wait3A_37 = tpu.memref_squeeze %dma_wait3A_36 : memref<1x5120xi32, #tpu.memory_space<hbm>> -> memref<5120xi32, #tpu.memory_space<hbm>>
      tpu.wait_dma2 semaphore(%run_scoped3A : memref<!tpu.dma_semaphore, #tpu.memory_space<semaphore_mem>>) src(%dma_wait3A_37 : memref<5120xi32, #tpu.memory_space<hbm>>) dst(%arg4 : memref<5120xi32, #tpu.memory_space<vmem>>)
      tpu.yield
    }) : () -> ()
    %barrier3A = arith.constant 0 : index
    tpu.barrier barrier_id(%barrier3A)
    %scan3A_16 = arith.constant 0 : i32
    %scan3A_17 = arith.constant 0 : i32
    %scan3A_18 = arith.constant 40 : i32
    %scan3A_19 = arith.addi %scan3A_17, %scan3A_18 : i32
    %scan3A_20 = arith.constant 1 : i32
    %scan3A_21 = scf.for %scan3A_28 = %scan3A_17 to %scan3A_19 step %scan3A_20 iter_args(%scan3A_29 = %scan3A_16) -> (i32)  : i32 {
      %scan3A_30 = arith.constant 0 : i32
      %scan3A_31 = arith.constant 0 : i32
      %scan3A_32 = arith.constant 8 : i32
      %scan3A_33 = arith.addi %scan3A_31, %scan3A_32 : i32
      %scan3A_34 = arith.constant 1 : i32
      %scan3A_35 = scf.for %scan3A_38 = %scan3A_31 to %scan3A_33 step %scan3A_34 iter_args(%scan3A_39 = %scan3A_30) -> (i32)  : i32 {
        %mul3A_40 = arith.constant 128 : i32
        %mul3A_41 = arith.muli %scan3A_28, %mul3A_40 : i32
        %mul3A_42 = arith.constant 16 : i32
        %mul3A_43 = arith.muli %scan3A_38, %mul3A_42 : i32
        %add3A_44 = arith.addi %mul3A_41, %mul3A_43 : i32
        %get3A = arith.index_cast %add3A_44 : i32 to index
        %get3A_45 = tpu.vector_load %arg4[%get3A] {strides = array<i32>} : memref<5120xi32, #tpu.memory_space<vmem>>, vector<16xi32>,
        %get3A_46 = vector.shape_cast %get3A_45 : vector<16xi32> to vector<16xi32>
        %mul3A_47 = arith.constant 16 : i32
        %mul3A_48 = arith.muli %scan3A_38, %mul3A_47 : i32
        %swap3A = arith.index_cast %mul3A_48 : i32 to index
        %swap3A_49 = tpu.vector_load %arg6[%swap3A] {strides = array<i32>} : memref<128xi32, #tpu.memory_space<vmem>>, vector<16xi32>,
        %swap3A_50 = vector.shape_cast %swap3A_49 : vector<16xi32> to vector<16xi32>
        %swap3A_51 = vector.shape_cast %get3A_46 : vector<16xi32> to vector<16xi32>
        tpu.vector_store %arg6[%swap3A], %swap3A_51 {strides = array<i32>} : memref<128xi32, #tpu.memory_space<vmem>>, vector<16xi32>,
        %scan3A_52 = arith.constant 0 : i32
        scf.yield %scan3A_52 : i32
      }
      %scan3A_36 = arith.constant 8 : i32
      "tpu.region"() ({
        %run_scoped3A = tpu.sem_alloc : memref<!tpu.dma_semaphore, #tpu.memory_space<semaphore_mem>>
        %dma_start3A = arith.constant 0 : i32
        %dma_start3A_38 = tpu.memref_slice %arg8[%dma_start3A] : memref<10240xf32, #tpu.memory_space<vmem_shared>> -> memref<10240xf32, #tpu.memory_space<vmem_shared>>
        tpu.enqueue_indirect_dma source(%arg5 : memref<128xf32, #tpu.memory_space<vmem>>) target(%dma_start3A_38 : memref<10240xf32, #tpu.memory_space<vmem_shared>>) offsets(%arg6 : memref<128xi32, #tpu.memory_space<vmem>>) semaphore(%run_scoped3A : memref<!tpu.dma_semaphore, #tpu.memory_space<semaphore_mem>>) {add = true}
        %dma_wait3A = arith.constant 0 : i32
        %dma_wait3A_39 = tpu.memref_slice %arg8[%dma_wait3A] : memref<10240xf32, #tpu.memory_space<vmem_shared>> -> memref<10240xf32, #tpu.memory_space<vmem_shared>>
        tpu.wait_indirect_dma semaphore(%run_scoped3A : memref<!tpu.dma_semaphore, #tpu.memory_space<semaphore_mem>>) src(%arg5 : memref<128xf32, #tpu.memory_space<vmem>>) dst(%dma_wait3A_39 : memref<10240xf32, #tpu.memory_space<vmem_shared>>)
        tpu.yield
      }) : () -> ()
      %scan3A_37 = arith.constant 0 : i32
      scf.yield %scan3A_37 : i32
    }
    %scan3A_22 = arith.constant 40 : i32
    %barrier3A_23 = arith.constant 0 : index
    tpu.barrier barrier_id(%barrier3A_23)
    %mul3A_24 = arith.constant 640 : i32
    %mul3A_25 = arith.muli %arg1, %mul3A_24 : i32
    %mul3A_26 = arith.constant 640 : i32
    %mul3A_27 = arith.muli %arg1, %mul3A_26 : i32
    "tpu.region"() ({
      %run_scoped3A = tpu.sem_alloc : memref<!tpu.dma_semaphore, #tpu.memory_space<semaphore_mem>>
      %dma_start3A = tpu.memref_slice %arg3[%arg0, %mul3A_27] : memref<2x10240xf32, #tpu.memory_space<hbm>> -> memref<1x640xf32, #tpu.memory_space<hbm>>
      %dma_start3A_28 = tpu.memref_squeeze %dma_start3A : memref<1x640xf32, #tpu.memory_space<hbm>> -> memref<640xf32, #tpu.memory_space<hbm>>
      %dma_start3A_29 = tpu.memref_slice %arg8[%mul3A_25] : memref<10240xf32, #tpu.memory_space<vmem_shared>> -> memref<640xf32, #tpu.memory_space<vmem_shared>>
      tpu.enqueue_dma source(%dma_start3A_29 : memref<640xf32, #tpu.memory_space<vmem_shared>>) target(%dma_start3A_28 : memref<640xf32, #tpu.memory_space<hbm>>) target_semaphore(%run_scoped3A : memref<!tpu.dma_semaphore, #tpu.memory_space<semaphore_mem>>)
      %dma_wait3A = tpu.memref_slice %arg3[%arg0, %mul3A_27] : memref<2x10240xf32, #tpu.memory_space<hbm>> -> memref<1x640xf32, #tpu.memory_space<hbm>>
      %dma_wait3A_30 = tpu.memref_squeeze %dma_wait3A : memref<1x640xf32, #tpu.memory_space<hbm>> -> memref<640xf32, #tpu.memory_space<hbm>>
      %dma_wait3A_31 = tpu.memref_slice %arg8[%mul3A_25] : memref<10240xf32, #tpu.memory_space<vmem_shared>> -> memref<640xf32, #tpu.memory_space<vmem_shared>>
      tpu.wait_dma2 semaphore(%run_scoped3A : memref<!tpu.dma_semaphore, #tpu.memory_space<semaphore_mem>>) src(%dma_wait3A_31 : memref<640xf32, #tpu.memory_space<vmem_shared>>) dst(%dma_wait3A_30 : memref<640xf32, #tpu.memory_space<hbm>>)
      tpu.yield
    }) : () -> ()
    return
  }
}

#map = affine_map<(d0, d1) -> (0)>
#map1 = affine_map<(d0, d1) -> (0, 0)>
module attributes {stable_mosaic.version = 14 : i64} {
  func.func @_agg_kernel(%arg0: i32, %arg1: i32, %arg2: memref<2621440xf32, #tpu.memory_space<hbm>>, %arg3: memref<10240x256xf32, #tpu.memory_space<hbm>>, %arg4: memref<163840xi32, #tpu.memory_space<hbm>>, %arg5: memref<163840xi32, #tpu.memory_space<hbm>>, %arg6: memref<2621440xf32, #tpu.memory_space<hbm>>, %arg7: memref<1024xi32, #tpu.memory_space<vmem>>, %arg8: memref<1024xi32, #tpu.memory_space<vmem>>, %arg9: memref<32xi32, #tpu.memory_space<vmem>>, %arg10: memref<32xi32, #tpu.memory_space<vmem>>, %arg11: memref<2x32x256xf32, #tpu.memory_space<vmem>>, %arg12: memref<2x64x128xi32, #tpu.memory_space<vmem>>, %arg13: memref<1314816xf32, #tpu.memory_space<vmem_shared>>, %arg14: memref<!tpu.dma_semaphore, #tpu.memory_space<semaphore_mem>>, %arg15: memref<!tpu.dma_semaphore, #tpu.memory_space<semaphore_mem>>) attributes {dimension_semantics = [#tpu.dimension_semantics<core_parallel>, #tpu.dimension_semantics<subcore_parallel>], iteration_bounds = array<i64: 2, 16>, scalar_prefetch = 0 : i64, scratch_operands = 9 : i64, tpu.core_type = #tpu.core_type<sc_vector_subcore>, window_params = [{transform_indices = #map}, {transform_indices = #map1}, {transform_indices = #map}, {transform_indices = #map}, {transform_indices = #map}]} {
    %mul3A = arith.constant 5120 : i32
    %mul3A_0 = arith.muli %arg0, %mul3A : i32
    %mul3A_1 = arith.constant 10240 : i32
    %mul3A_2 = arith.muli %arg1, %mul3A_1 : i32
    %mul3A_3 = arith.constant 320 : i32
    %mul3A_4 = arith.muli %arg1, %mul3A_3 : i32
    %add3A = arith.addi %mul3A_0, %mul3A_4 : i32
    %mul3A_5 = arith.constant 256 : i32
    %mul3A_6 = arith.muli %add3A, %mul3A_5 : i32
    %mul3A_7 = arith.constant 320 : i32
    %mul3A_8 = arith.muli %arg1, %mul3A_7 : i32
    %mul3A_9 = arith.constant 256 : i32
    %mul3A_10 = arith.muli %mul3A_8, %mul3A_9 : i32
    "tpu.region"() ({
      %run_scoped3A = tpu.sem_alloc : memref<!tpu.dma_semaphore, #tpu.memory_space<semaphore_mem>>
      %dma_start3A = tpu.memref_slice %arg13[%mul3A_10] : memref<1314816xf32, #tpu.memory_space<vmem_shared>> -> memref<81920xf32, #tpu.memory_space<vmem_shared>>
      %dma_start3A_27 = tpu.memref_slice %arg2[%mul3A_6] : memref<2621440xf32, #tpu.memory_space<hbm>> -> memref<81920xf32, #tpu.memory_space<hbm>>
      tpu.enqueue_dma source(%dma_start3A_27 : memref<81920xf32, #tpu.memory_space<hbm>>) target(%dma_start3A : memref<81920xf32, #tpu.memory_space<vmem_shared>>) target_semaphore(%run_scoped3A : memref<!tpu.dma_semaphore, #tpu.memory_space<semaphore_mem>>)
      %dma_wait3A = tpu.memref_slice %arg13[%mul3A_10] : memref<1314816xf32, #tpu.memory_space<vmem_shared>> -> memref<81920xf32, #tpu.memory_space<vmem_shared>>
      %dma_wait3A_28 = tpu.memref_slice %arg2[%mul3A_6] : memref<2621440xf32, #tpu.memory_space<hbm>> -> memref<81920xf32, #tpu.memory_space<hbm>>
      tpu.wait_dma2 semaphore(%run_scoped3A : memref<!tpu.dma_semaphore, #tpu.memory_space<semaphore_mem>>) src(%dma_wait3A_28 : memref<81920xf32, #tpu.memory_space<hbm>>) dst(%dma_wait3A : memref<81920xf32, #tpu.memory_space<vmem_shared>>)
      tpu.yield
    }) : () -> ()
    %barrier3A = arith.constant 0 : index
    tpu.barrier barrier_id(%barrier3A)
    %iota3A = tpu.iota {dimensions = array<i32: 0>} : vector<16xi32>
    %scan3A = arith.constant 0 : i32
    %scan3A_11 = arith.constant 0 : i32
    %scan3A_12 = arith.constant 10 : i32
    %scan3A_13 = arith.addi %scan3A_11, %scan3A_12 : i32
    %scan3A_14 = arith.constant 1 : i32
    %scan3A_15 = scf.for %scan3A_27 = %scan3A_11 to %scan3A_13 step %scan3A_14 iter_args(%scan3A_28 = %scan3A) -> (i32)  : i32 {
      %mul3A_29 = arith.constant 1024 : i32
      %mul3A_30 = arith.muli %scan3A_27, %mul3A_29 : i32
      %add3A_31 = arith.addi %mul3A_2, %mul3A_30 : i32
      "tpu.region"() ({
        %run_scoped3A = tpu.sem_alloc : memref<!tpu.dma_semaphore, #tpu.memory_space<semaphore_mem>>
        %dma_start3A = tpu.memref_slice %arg4[%add3A_31] : memref<163840xi32, #tpu.memory_space<hbm>> -> memref<1024xi32, #tpu.memory_space<hbm>>
        %dma_start3A_72 = tpu.memref_slice %arg4[%add3A_31] : memref<163840xi32, #tpu.memory_space<hbm>> -> memref<1024xi32, #tpu.memory_space<hbm>>
        tpu.enqueue_dma source(%dma_start3A_72 : memref<1024xi32, #tpu.memory_space<hbm>>) target(%arg7 : memref<1024xi32, #tpu.memory_space<vmem>>) target_semaphore(%run_scoped3A : memref<!tpu.dma_semaphore, #tpu.memory_space<semaphore_mem>>)
        %dma_wait3A_73 = tpu.memref_slice %arg4[%add3A_31] : memref<163840xi32, #tpu.memory_space<hbm>> -> memref<1024xi32, #tpu.memory_space<hbm>>
        %dma_wait3A_74 = tpu.memref_slice %arg4[%add3A_31] : memref<163840xi32, #tpu.memory_space<hbm>> -> memref<1024xi32, #tpu.memory_space<hbm>>
        tpu.wait_dma2 semaphore(%run_scoped3A : memref<!tpu.dma_semaphore, #tpu.memory_space<semaphore_mem>>) src(%dma_wait3A_74 : memref<1024xi32, #tpu.memory_space<hbm>>) dst(%arg7 : memref<1024xi32, #tpu.memory_space<vmem>>)
        tpu.yield
      }) : () -> ()
      %mul3A_32 = arith.constant 1024 : i32
      %mul3A_33 = arith.muli %scan3A_27, %mul3A_32 : i32
      %add3A_34 = arith.addi %mul3A_2, %mul3A_33 : i32
      "tpu.region"() ({
        %run_scoped3A = tpu.sem_alloc : memref<!tpu.dma_semaphore, #tpu.memory_space<semaphore_mem>>
        %dma_start3A = tpu.memref_slice %arg5[%add3A_34] : memref<163840xi32, #tpu.memory_space<hbm>> -> memref<1024xi32, #tpu.memory_space<hbm>>
        %dma_start3A_72 = tpu.memref_slice %arg5[%add3A_34] : memref<163840xi32, #tpu.memory_space<hbm>> -> memref<1024xi32, #tpu.memory_space<hbm>>
        tpu.enqueue_dma source(%dma_start3A_72 : memref<1024xi32, #tpu.memory_space<hbm>>) target(%arg8 : memref<1024xi32, #tpu.memory_space<vmem>>) target_semaphore(%run_scoped3A : memref<!tpu.dma_semaphore, #tpu.memory_space<semaphore_mem>>)
        %dma_wait3A_73 = tpu.memref_slice %arg5[%add3A_34] : memref<163840xi32, #tpu.memory_space<hbm>> -> memref<1024xi32, #tpu.memory_space<hbm>>
        %dma_wait3A_74 = tpu.memref_slice %arg5[%add3A_34] : memref<163840xi32, #tpu.memory_space<hbm>> -> memref<1024xi32, #tpu.memory_space<hbm>>
        tpu.wait_dma2 semaphore(%run_scoped3A : memref<!tpu.dma_semaphore, #tpu.memory_space<semaphore_mem>>) src(%dma_wait3A_74 : memref<1024xi32, #tpu.memory_space<hbm>>) dst(%arg8 : memref<1024xi32, #tpu.memory_space<vmem>>)
        tpu.yield
      }) : () -> ()
      %scan3A_35 = arith.constant 0 : i32
      %scan3A_36 = arith.constant 0 : i32
      %scan3A_37 = arith.constant 32 : i32
      %scan3A_38 = arith.addi %scan3A_36, %scan3A_37 : i32
      %scan3A_39 = arith.constant 1 : i32
      %scan3A_40 = scf.for %scan3A_72 = %scan3A_36 to %scan3A_38 step %scan3A_39 iter_args(%scan3A_73 = %scan3A_35) -> (i32)  : i32 {
        %scan3A_74 = arith.constant 0 : i32
        %scan3A_75 = arith.constant 0 : i32
        %scan3A_76 = arith.constant 2 : i32
        %scan3A_77 = arith.addi %scan3A_75, %scan3A_76 : i32
        %scan3A_78 = arith.constant 1 : i32
        %scan3A_79 = scf.for %scan3A_112 = %scan3A_75 to %scan3A_77 step %scan3A_78 iter_args(%scan3A_113 = %scan3A_74) -> (i32)  : i32 {
          %mul3A_114 = arith.constant 32 : i32
          %mul3A_115 = arith.muli %scan3A_72, %mul3A_114 : i32
          %mul3A_116 = arith.constant 16 : i32
          %mul3A_117 = arith.muli %scan3A_112, %mul3A_116 : i32
          %add3A_118 = arith.addi %mul3A_115, %mul3A_117 : i32
          %get3A = arith.index_cast %add3A_118 : i32 to index
          %get3A_119 = tpu.vector_load %arg7[%get3A] {strides = array<i32>} : memref<1024xi32, #tpu.memory_space<vmem>>, vector<16xi32>,
          %get3A_120 = vector.shape_cast %get3A_119 : vector<16xi32> to vector<16xi32>
          %mul3A_121 = arith.constant 16 : i32
          %mul3A_122 = arith.muli %scan3A_112, %mul3A_121 : i32
          %swap3A = arith.index_cast %mul3A_122 : i32 to index
          %swap3A_123 = tpu.vector_load %arg9[%swap3A] {strides = array<i32>} : memref<32xi32, #tpu.memory_space<vmem>>, vector<16xi32>,
          %swap3A_124 = vector.shape_cast %swap3A_123 : vector<16xi32> to vector<16xi32>
          %swap3A_125 = vector.shape_cast %get3A_120 : vector<16xi32> to vector<16xi32>
          tpu.vector_store %arg9[%swap3A], %swap3A_125 {strides = array<i32>} : memref<32xi32, #tpu.memory_space<vmem>>, vector<16xi32>,
          %get3A_126 = arith.index_cast %add3A_118 : i32 to index
          %get3A_127 = tpu.vector_load %arg8[%get3A_126] {strides = array<i32>} : memref<1024xi32, #tpu.memory_space<vmem>>, vector<16xi32>,
          %get3A_128 = vector.shape_cast %get3A_127 : vector<16xi32> to vector<16xi32>
          %sub3A = vector.broadcast %mul3A_0 : i32 to vector<16xi32>
          %sub3A_129 = arith.subi %get3A_128, %sub3A : vector<16xi32>
          %ge3A_130 = arith.constant 0 : i32
          %ge3A_131 = vector.broadcast %ge3A_130 : i32 to vector<16xi32>
          %ge3A_132 = arith.cmpi sge, %sub3A_129, %ge3A_131 : vector<16xi32>
          %lt3A = arith.constant 5120 : i32
          %lt3A_133 = vector.broadcast %lt3A : i32 to vector<16xi32>
          %lt3A_134 = arith.cmpi slt, %sub3A_129, %lt3A_133 : vector<16xi32>
          %and3A_135 = arith.andi %ge3A_132, %lt3A_134 : vector<16xi1>
          %broadcast_in_dim3A = arith.constant 5120 : i32
          %broadcast_in_dim3A_136 = vector.broadcast %broadcast_in_dim3A : i32 to vector<16xi32>
          %add3A_137 = vector.broadcast %arg1 : i32 to vector<16xi32>
          %add3A_138 = arith.addi %broadcast_in_dim3A_136, %add3A_137 : vector<16xi32>
          %select_n3A = arith.select %and3A_135, %sub3A_129, %add3A_138 : vector<16xi1>, vector<16xi32>
          %mul3A_139 = arith.constant 256 : i32
          %mul3A_140 = vector.broadcast %mul3A_139 : i32 to vector<16xi32>
          %mul3A_141 = arith.muli %select_n3A, %mul3A_140 : vector<16xi32>
          %mul3A_142 = arith.constant 16 : i32
          %mul3A_143 = arith.muli %scan3A_112, %mul3A_142 : i32
          %swap3A_144 = arith.index_cast %mul3A_143 : i32 to index
          %swap3A_145 = tpu.vector_load %arg10[%swap3A_144] {strides = array<i32>} : memref<32xi32, #tpu.memory_space<vmem>>, vector<16xi32>,
          %swap3A_146 = vector.shape_cast %swap3A_145 : vector<16xi32> to vector<16xi32>
          %swap3A_147 = vector.shape_cast %mul3A_141 : vector<16xi32> to vector<16xi32>
          tpu.vector_store %arg10[%swap3A_144], %swap3A_147 {strides = array<i32>} : memref<32xi32, #tpu.memory_space<vmem>>, vector<16xi32>,
          %scan3A_148 = arith.constant 0 : i32
          scf.yield %scan3A_148 : i32
        }
        %scan3A_80 = arith.constant 2 : i32
        %and3A = arith.constant 1 : i32
        %and3A_81 = arith.andi %scan3A_72, %and3A : i32
        %dma_start3A = arith.constant 0 : i32
        %dma_start3A_82 = arith.constant 0 : i32
        %dma_start3A_83 = tpu.memref_slice %arg11[%and3A_81, %dma_start3A, %dma_start3A_82] : memref<2x32x256xf32, #tpu.memory_space<vmem>> -> memref<1x32x256xf32, #tpu.memory_space<vmem>>
        %dma_start3A_84 = tpu.memref_squeeze %dma_start3A_83 : memref<1x32x256xf32, #tpu.memory_space<vmem>> -> memref<32x256xf32, #tpu.memory_space<vmem>>
        %dma_start3A_85 = arith.constant 0 : i32
        %dma_start3A_86 = arith.constant 0 : i32
        %dma_start3A_87 = tpu.memref_slice %arg3[%dma_start3A_85, %dma_start3A_86] : memref<10240x256xf32, #tpu.memory_space<hbm>> -> memref<10240x256xf32, #tpu.memory_space<hbm>>
        tpu.enqueue_indirect_dma source(%dma_start3A_87 : memref<10240x256xf32, #tpu.memory_space<hbm>>) target(%dma_start3A_84 : memref<32x256xf32, #tpu.memory_space<vmem>>) offsets(%arg9 : memref<32xi32, #tpu.memory_space<vmem>>) semaphore(%arg15 : memref<!tpu.dma_semaphore, #tpu.memory_space<semaphore_mem>>)
        %ge3A = arith.constant 2 : i32
        %ge3A_88 = arith.cmpi sge, %scan3A_72, %ge3A : i32
        %convert_element_type3A = arith.extui %ge3A_88 : i1 to i32
        %cond3A = arith.constant 0 : i32
        %cond3A_89 = arith.cmpi ne, %convert_element_type3A, %cond3A : i32
        scf.if %cond3A_89 {
          %dma_wait3A_112 = arith.constant 0 : i32
          %dma_wait3A_113 = arith.constant 0 : i32
          %dma_wait3A_114 = tpu.memref_slice %arg11[%and3A_81, %dma_wait3A_112, %dma_wait3A_113] : memref<2x32x256xf32, #tpu.memory_space<vmem>> -> memref<1x32x256xf32, #tpu.memory_space<vmem>>
          %dma_wait3A_115 = tpu.memref_squeeze %dma_wait3A_114 : memref<1x32x256xf32, #tpu.memory_space<vmem>> -> memref<32x256xf32, #tpu.memory_space<vmem>>
          %dma_wait3A_116 = arith.constant 0 : i32
          %dma_wait3A_117 = arith.constant 0 : i32
          %dma_wait3A_118 = tpu.memref_slice %arg3[%dma_wait3A_116, %dma_wait3A_117] : memref<10240x256xf32, #tpu.memory_space<hbm>> -> memref<32x256xf32, #tpu.memory_space<hbm>>
          %dma_wait3A_119 = arith.constant 0 : i32
          %dma_wait3A_120 = arith.constant 0 : i32
          %dma_wait3A_121 = tpu.memref_slice %arg11[%and3A_81, %dma_wait3A_119, %dma_wait3A_120] : memref<2x32x256xf32, #tpu.memory_space<vmem>> -> memref<1x32x256xf32, #tpu.memory_space<vmem>>
          %dma_wait3A_122 = tpu.memref_squeeze %dma_wait3A_121 : memref<1x32x256xf32, #tpu.memory_space<vmem>> -> memref<32x256xf32, #tpu.memory_space<vmem>>
          %dma_wait3A_123 = arith.constant 0 : i32
          %dma_wait3A_124 = arith.constant 0 : i32
          %dma_wait3A_125 = tpu.memref_slice %arg3[%dma_wait3A_123, %dma_wait3A_124] : memref<10240x256xf32, #tpu.memory_space<hbm>> -> memref<32x256xf32, #tpu.memory_space<hbm>>
          tpu.wait_dma2 semaphore(%arg14 : memref<!tpu.dma_semaphore, #tpu.memory_space<semaphore_mem>>) src(%dma_wait3A_125 : memref<32x256xf32, #tpu.memory_space<hbm>>) dst(%dma_wait3A_122 : memref<32x256xf32, #tpu.memory_space<vmem>>)
        } else {
        }
        %scan3A_90 = arith.constant 0 : i32
        %scan3A_91 = arith.constant 0 : i32
        %scan3A_92 = arith.constant 32 : i32
        %scan3A_93 = arith.addi %scan3A_91, %scan3A_92 : i32
        %scan3A_94 = arith.constant 1 : i32
        %scan3A_95 = scf.for %scan3A_112 = %scan3A_91 to %scan3A_93 step %scan3A_94 iter_args(%scan3A_113 = %scan3A_90) -> (i32)  : i32 {
          %jit3A = arith.constant 16 : i32
          %div3A = arith.divsi %scan3A_112, %jit3A : i32
          %sign3A = arith.constant 0 : i32
          %sign3A_114 = arith.cmpi sgt, %scan3A_112, %sign3A : i32
          %sign3A_115 = arith.extui %sign3A_114 : i1 to i32
          %sign3A_116 = arith.constant 0 : i32
          %sign3A_117 = arith.cmpi slt, %scan3A_112, %sign3A_116 : i32
          %sign3A_118 = arith.extui %sign3A_117 : i1 to i32
          %sign3A_119 = arith.subi %sign3A_115, %sign3A_118 : i32
          %sign3A_120 = arith.constant 0 : i32
          %sign3A_121 = arith.cmpi sgt, %jit3A, %sign3A_120 : i32
          %sign3A_122 = arith.extui %sign3A_121 : i1 to i32
          %sign3A_123 = arith.constant 0 : i32
          %sign3A_124 = arith.cmpi slt, %jit3A, %sign3A_123 : i32
          %sign3A_125 = arith.extui %sign3A_124 : i1 to i32
          %sign3A_126 = arith.subi %sign3A_122, %sign3A_125 : i32
          %ne3A = arith.cmpi ne, %sign3A_119, %sign3A_126 : i32
          %rem3A = arith.remsi %scan3A_112, %jit3A : i32
          %ne3A_127 = arith.constant 0 : i32
          %ne3A_128 = arith.cmpi ne, %rem3A, %ne3A_127 : i32
          %and3A_129 = arith.andi %ne3A, %ne3A_128 : i1
          %sub3A = arith.constant 1 : i32
          %sub3A_130 = arith.subi %div3A, %sub3A : i32
          %select_n3A = arith.select %and3A_129, %sub3A_130, %div3A : i32
          %mul3A_131 = arith.constant 16 : i32
          %mul3A_132 = arith.muli %select_n3A, %mul3A_131 : i32
          %get3A = arith.index_cast %mul3A_132 : i32 to index
          %get3A_133 = tpu.vector_load %arg10[%get3A] {strides = array<i32>} : memref<32xi32, #tpu.memory_space<vmem>>, vector<16xi32>,
          %get3A_134 = vector.shape_cast %get3A_133 : vector<16xi32> to vector<16xi32>
          %jit3A_135 = arith.constant 16 : i32
          %eq3A = arith.constant 0 : i32
          %eq3A_136 = arith.cmpi eq, %jit3A_135, %eq3A : i32
          %jit3A_137 = arith.constant 1 : i32
          %select_n3A_138 = arith.select %eq3A_136, %jit3A_137, %jit3A_135 : i32
          %rem3A_139 = arith.remsi %scan3A_112, %select_n3A_138 : i32
          %ne3A_140 = arith.constant 0 : i32
          %ne3A_141 = arith.cmpi ne, %rem3A_139, %ne3A_140 : i32
          %lt3A = arith.constant 0 : i32
          %lt3A_142 = arith.cmpi slt, %rem3A_139, %lt3A : i32
          %lt3A_143 = arith.constant 0 : i32
          %lt3A_144 = arith.cmpi slt, %select_n3A_138, %lt3A_143 : i32
          %ne3A_145 = arith.xori %lt3A_142, %lt3A_144 : i1
          %and3A_146 = arith.andi %ne3A_145, %ne3A_141 : i1
          %add3A_147 = arith.addi %rem3A_139, %select_n3A_138 : i32
          %select_n3A_148 = arith.select %and3A_146, %add3A_147, %rem3A_139 : i32
          %broadcast_in_dim3A = vector.broadcast %select_n3A_148 : i32 to vector<16xi32>
          %lt3A_149 = arith.constant 0 : i32
          %lt3A_150 = vector.broadcast %lt3A_149 : i32 to vector<16xi32>
          %lt3A_151 = arith.cmpi slt, %broadcast_in_dim3A, %lt3A_150 : vector<16xi32>
          %add3A_152 = arith.constant 16 : i32
          %add3A_153 = vector.broadcast %add3A_152 : i32 to vector<16xi32>
          %add3A_154 = arith.addi %broadcast_in_dim3A, %add3A_153 : vector<16xi32>
          %select_n3A_155 = arith.select %lt3A_151, %add3A_154, %broadcast_in_dim3A : vector<16xi1>, vector<16xi32>
          %broadcast_in_dim3A_156 = vector.shape_cast %select_n3A_155 : vector<16xi32> to vector<16x1xi32>
          %gather3A = vector.shape_cast %broadcast_in_dim3A_156 : vector<16x1xi32> to vector<16xi32>
          %gather3A_157 = tpu.dynamic_gather %get3A_134[%gather3A] in [0] : vector<16xi32>, vector<16xi32> -> vector<16xi32>
          %add3A_158 = arith.constant 0 : i32
          %add3A_159 = vector.broadcast %add3A_158 : i32 to vector<16xi32>
          %add3A_160 = arith.addi %gather3A_157, %add3A_159 : vector<16xi32>
          %add3A_161 = arith.addi %add3A_160, %iota3A : vector<16xi32>
          %mul3A_162 = arith.constant 2 : i32
          %mul3A_163 = arith.muli %mul3A_162, %scan3A_112 : i32
          %add3A_164 = arith.constant 0 : i32
          %add3A_165 = arith.addi %mul3A_163, %add3A_164 : i32
          %swap3A = arith.index_cast %and3A_81 : i32 to index
          %swap3A_166 = arith.index_cast %add3A_165 : i32 to index
          %swap3A_167 = arith.constant 0 : index
          %swap3A_168 = tpu.vector_load %arg12[%swap3A, %swap3A_166, %swap3A_167] {strides = array<i32>} : memref<2x64x128xi32, #tpu.memory_space<vmem>>, vector<1x1x16xi32>,
          %swap3A_169 = vector.shape_cast %swap3A_168 : vector<1x1x16xi32> to vector<16xi32>
          %swap3A_170 = vector.shape_cast %add3A_161 : vector<16xi32> to vector<1x1x16xi32>
          tpu.vector_store %arg12[%swap3A, %swap3A_166, %swap3A_167], %swap3A_170 {strides = array<i32>} : memref<2x64x128xi32, #tpu.memory_space<vmem>>, vector<1x1x16xi32>,
          %add3A_171 = arith.constant 16 : i32
          %add3A_172 = vector.broadcast %add3A_171 : i32 to vector<16xi32>
          %add3A_173 = arith.addi %gather3A_157, %add3A_172 : vector<16xi32>
          %add3A_174 = arith.addi %add3A_173, %iota3A : vector<16xi32>
          %mul3A_175 = arith.constant 2 : i32
          %mul3A_176 = arith.muli %mul3A_175, %scan3A_112 : i32
          %add3A_177 = arith.constant 0 : i32
          %add3A_178 = arith.addi %mul3A_176, %add3A_177 : i32
          %swap3A_179 = arith.index_cast %and3A_81 : i32 to index
          %swap3A_180 = arith.index_cast %add3A_178 : i32 to index
          %swap3A_181 = arith.constant 16 : index
          %swap3A_182 = tpu.vector_load %arg12[%swap3A_179, %swap3A_180, %swap3A_181] {strides = array<i32>} : memref<2x64x128xi32, #tpu.memory_space<vmem>>, vector<1x1x16xi32>,
          %swap3A_183 = vector.shape_cast %swap3A_182 : vector<1x1x16xi32> to vector<16xi32>
          %swap3A_184 = vector.shape_cast %add3A_174 : vector<16xi32> to vector<1x1x16xi32>
          tpu.vector_store %arg12[%swap3A_179, %swap3A_180, %swap3A_181], %swap3A_184 {strides = array<i32>} : memref<2x64x128xi32, #tpu.memory_space<vmem>>, vector<1x1x16xi32>,
          %add3A_185 = arith.constant 32 : i32
          %add3A_186 = vector.broadcast %add3A_185 : i32 to vector<16xi32>
          %add3A_187 = arith.addi %gather3A_157, %add3A_186 : vector<16xi32>
          %add3A_188 = arith.addi %add3A_187, %iota3A : vector<16xi32>
          %mul3A_189 = arith.constant 2 : i32
          %mul3A_190 = arith.muli %mul3A_189, %scan3A_112 : i32
          %add3A_191 = arith.constant 0 : i32
          %add3A_192 = arith.addi %mul3A_190, %add3A_191 : i32
          %swap3A_193 = arith.index_cast %and3A_81 : i32 to index
          %swap3A_194 = arith.index_cast %add3A_192 : i32 to index
          %swap3A_195 = arith.constant 32 : index
          %swap3A_196 = tpu.vector_load %arg12[%swap3A_193, %swap3A_194, %swap3A_195] {strides = array<i32>} : memref<2x64x128xi32, #tpu.memory_space<vmem>>, vector<1x1x16xi32>,
          %swap3A_197 = vector.shape_cast %swap3A_196 : vector<1x1x16xi32> to vector<16xi32>
          %swap3A_198 = vector.shape_cast %add3A_188 : vector<16xi32> to vector<1x1x16xi32>
          tpu.vector_store %arg12[%swap3A_193, %swap3A_194, %swap3A_195], %swap3A_198 {strides = array<i32>} : memref<2x64x128xi32, #tpu.memory_space<vmem>>, vector<1x1x16xi32>,
          %add3A_199 = arith.constant 48 : i32
          %add3A_200 = vector.broadcast %add3A_199 : i32 to vector<16xi32>
          %add3A_201 = arith.addi %gather3A_157, %add3A_200 : vector<16xi32>
          %add3A_202 = arith.addi %add3A_201, %iota3A : vector<16xi32>
          %mul3A_203 = arith.constant 2 : i32
          %mul3A_204 = arith.muli %mul3A_203, %scan3A_112 : i32
          %add3A_205 = arith.constant 0 : i32
          %add3A_206 = arith.addi %mul3A_204, %add3A_205 : i32
          %swap3A_207 = arith.index_cast %and3A_81 : i32 to index
          %swap3A_208 = arith.index_cast %add3A_206 : i32 to index
          %swap3A_209 = arith.constant 48 : index
          %swap3A_210 = tpu.vector_load %arg12[%swap3A_207, %swap3A_208, %swap3A_209] {strides = array<i32>} : memref<2x64x128xi32, #tpu.memory_space<vmem>>, vector<1x1x16xi32>,
          %swap3A_211 = vector.shape_cast %swap3A_210 : vector<1x1x16xi32> to vector<16xi32>
          %swap3A_212 = vector.shape_cast %add3A_202 : vector<16xi32> to vector<1x1x16xi32>
          tpu.vector_store %arg12[%swap3A_207, %swap3A_208, %swap3A_209], %swap3A_212 {strides = array<i32>} : memref<2x64x128xi32, #tpu.memory_space<vmem>>, vector<1x1x16xi32>,
          %add3A_213 = arith.constant 64 : i32
          %add3A_214 = vector.broadcast %add3A_213 : i32 to vector<16xi32>
          %add3A_215 = arith.addi %gather3A_157, %add3A_214 : vector<16xi32>
          %add3A_216 = arith.addi %add3A_215, %iota3A : vector<16xi32>
          %mul3A_217 = arith.constant 2 : i32
          %mul3A_218 = arith.muli %mul3A_217, %scan3A_112 : i32
          %add3A_219 = arith.constant 0 : i32
          %add3A_220 = arith.addi %mul3A_218, %add3A_219 : i32
          %swap3A_221 = arith.index_cast %and3A_81 : i32 to index
          %swap3A_222 = arith.index_cast %add3A_220 : i32 to index
          %swap3A_223 = arith.constant 64 : index
          %swap3A_224 = tpu.vector_load %arg12[%swap3A_221, %swap3A_222, %swap3A_223] {strides = array<i32>} : memref<2x64x128xi32, #tpu.memory_space<vmem>>, vector<1x1x16xi32>,
          %swap3A_225 = vector.shape_cast %swap3A_224 : vector<1x1x16xi32> to vector<16xi32>
          %swap3A_226 = vector.shape_cast %add3A_216 : vector<16xi32> to vector<1x1x16xi32>
          tpu.vector_store %arg12[%swap3A_221, %swap3A_222, %swap3A_223], %swap3A_226 {strides = array<i32>} : memref<2x64x128xi32, #tpu.memory_space<vmem>>, vector<1x1x16xi32>,
          %add3A_227 = arith.constant 80 : i32
          %add3A_228 = vector.broadcast %add3A_227 : i32 to vector<16xi32>
          %add3A_229 = arith.addi %gather3A_157, %add3A_228 : vector<16xi32>
          %add3A_230 = arith.addi %add3A_229, %iota3A : vector<16xi32>
          %mul3A_231 = arith.constant 2 : i32
          %mul3A_232 = arith.muli %mul3A_231, %scan3A_112 : i32
          %add3A_233 = arith.constant 0 : i32
          %add3A_234 = arith.addi %mul3A_232, %add3A_233 : i32
          %swap3A_235 = arith.index_cast %and3A_81 : i32 to index
          %swap3A_236 = arith.index_cast %add3A_234 : i32 to index
          %swap3A_237 = arith.constant 80 : index
          %swap3A_238 = tpu.vector_load %arg12[%swap3A_235, %swap3A_236, %swap3A_237] {strides = array<i32>} : memref<2x64x128xi32, #tpu.memory_space<vmem>>, vector<1x1x16xi32>,
          %swap3A_239 = vector.shape_cast %swap3A_238 : vector<1x1x16xi32> to vector<16xi32>
          %swap3A_240 = vector.shape_cast %add3A_230 : vector<16xi32> to vector<1x1x16xi32>
          tpu.vector_store %arg12[%swap3A_235, %swap3A_236, %swap3A_237], %swap3A_240 {strides = array<i32>} : memref<2x64x128xi32, #tpu.memory_space<vmem>>, vector<1x1x16xi32>,
          %add3A_241 = arith.constant 96 : i32
          %add3A_242 = vector.broadcast %add3A_241 : i32 to vector<16xi32>
          %add3A_243 = arith.addi %gather3A_157, %add3A_242 : vector<16xi32>
          %add3A_244 = arith.addi %add3A_243, %iota3A : vector<16xi32>
          %mul3A_245 = arith.constant 2 : i32
          %mul3A_246 = arith.muli %mul3A_245, %scan3A_112 : i32
          %add3A_247 = arith.constant 0 : i32
          %add3A_248 = arith.addi %mul3A_246, %add3A_247 : i32
          %swap3A_249 = arith.index_cast %and3A_81 : i32 to index
          %swap3A_250 = arith.index_cast %add3A_248 : i32 to index
          %swap3A_251 = arith.constant 96 : index
          %swap3A_252 = tpu.vector_load %arg12[%swap3A_249, %swap3A_250, %swap3A_251] {strides = array<i32>} : memref<2x64x128xi32, #tpu.memory_space<vmem>>, vector<1x1x16xi32>,
          %swap3A_253 = vector.shape_cast %swap3A_252 : vector<1x1x16xi32> to vector<16xi32>
          %swap3A_254 = vector.shape_cast %add3A_244 : vector<16xi32> to vector<1x1x16xi32>
          tpu.vector_store %arg12[%swap3A_249, %swap3A_250, %swap3A_251], %swap3A_254 {strides = array<i32>} : memref<2x64x128xi32, #tpu.memory_space<vmem>>, vector<1x1x16xi32>,
          %add3A_255 = arith.constant 112 : i32
          %add3A_256 = vector.broadcast %add3A_255 : i32 to vector<16xi32>
          %add3A_257 = arith.addi %gather3A_157, %add3A_256 : vector<16xi32>
          %add3A_258 = arith.addi %add3A_257, %iota3A : vector<16xi32>
          %mul3A_259 = arith.constant 2 : i32
          %mul3A_260 = arith.muli %mul3A_259, %scan3A_112 : i32
          %add3A_261 = arith.constant 0 : i32
          %add3A_262 = arith.addi %mul3A_260, %add3A_261 : i32
          %swap3A_263 = arith.index_cast %and3A_81 : i32 to index
          %swap3A_264 = arith.index_cast %add3A_262 : i32 to index
          %swap3A_265 = arith.constant 112 : index
          %swap3A_266 = tpu.vector_load %arg12[%swap3A_263, %swap3A_264, %swap3A_265] {strides = array<i32>} : memref<2x64x128xi32, #tpu.memory_space<vmem>>, vector<1x1x16xi32>,
          %swap3A_267 = vector.shape_cast %swap3A_266 : vector<1x1x16xi32> to vector<16xi32>
          %swap3A_268 = vector.shape_cast %add3A_258 : vector<16xi32> to vector<1x1x16xi32>
          tpu.vector_store %arg12[%swap3A_263, %swap3A_264, %swap3A_265], %swap3A_268 {strides = array<i32>} : memref<2x64x128xi32, #tpu.memory_space<vmem>>, vector<1x1x16xi32>,
          %add3A_269 = arith.constant 128 : i32
          %add3A_270 = vector.broadcast %add3A_269 : i32 to vector<16xi32>
          %add3A_271 = arith.addi %gather3A_157, %add3A_270 : vector<16xi32>
          %add3A_272 = arith.addi %add3A_271, %iota3A : vector<16xi32>
          %mul3A_273 = arith.constant 2 : i32
          %mul3A_274 = arith.muli %mul3A_273, %scan3A_112 : i32
          %add3A_275 = arith.constant 1 : i32
          %add3A_276 = arith.addi %mul3A_274, %add3A_275 : i32
          %swap3A_277 = arith.index_cast %and3A_81 : i32 to index
          %swap3A_278 = arith.index_cast %add3A_276 : i32 to index
          %swap3A_279 = arith.constant 0 : index
          %swap3A_280 = tpu.vector_load %arg12[%swap3A_277, %swap3A_278, %swap3A_279] {strides = array<i32>} : memref<2x64x128xi32, #tpu.memory_space<vmem>>, vector<1x1x16xi32>,
          %swap3A_281 = vector.shape_cast %swap3A_280 : vector<1x1x16xi32> to vector<16xi32>
          %swap3A_282 = vector.shape_cast %add3A_272 : vector<16xi32> to vector<1x1x16xi32>
          tpu.vector_store %arg12[%swap3A_277, %swap3A_278, %swap3A_279], %swap3A_282 {strides = array<i32>} : memref<2x64x128xi32, #tpu.memory_space<vmem>>, vector<1x1x16xi32>,
          %add3A_283 = arith.constant 144 : i32
          %add3A_284 = vector.broadcast %add3A_283 : i32 to vector<16xi32>
          %add3A_285 = arith.addi %gather3A_157, %add3A_284 : vector<16xi32>
          %add3A_286 = arith.addi %add3A_285, %iota3A : vector<16xi32>
          %mul3A_287 = arith.constant 2 : i32
          %mul3A_288 = arith.muli %mul3A_287, %scan3A_112 : i32
          %add3A_289 = arith.constant 1 : i32
          %add3A_290 = arith.addi %mul3A_288, %add3A_289 : i32
          %swap3A_291 = arith.index_cast %and3A_81 : i32 to index
          %swap3A_292 = arith.index_cast %add3A_290 : i32 to index
          %swap3A_293 = arith.constant 16 : index
          %swap3A_294 = tpu.vector_load %arg12[%swap3A_291, %swap3A_292, %swap3A_293] {strides = array<i32>} : memref<2x64x128xi32, #tpu.memory_space<vmem>>, vector<1x1x16xi32>,
          %swap3A_295 = vector.shape_cast %swap3A_294 : vector<1x1x16xi32> to vector<16xi32>
          %swap3A_296 = vector.shape_cast %add3A_286 : vector<16xi32> to vector<1x1x16xi32>
          tpu.vector_store %arg12[%swap3A_291, %swap3A_292, %swap3A_293], %swap3A_296 {strides = array<i32>} : memref<2x64x128xi32, #tpu.memory_space<vmem>>, vector<1x1x16xi32>,
          %add3A_297 = arith.constant 160 : i32
          %add3A_298 = vector.broadcast %add3A_297 : i32 to vector<16xi32>
          %add3A_299 = arith.addi %gather3A_157, %add3A_298 : vector<16xi32>
          %add3A_300 = arith.addi %add3A_299, %iota3A : vector<16xi32>
          %mul3A_301 = arith.constant 2 : i32
          %mul3A_302 = arith.muli %mul3A_301, %scan3A_112 : i32
          %add3A_303 = arith.constant 1 : i32
          %add3A_304 = arith.addi %mul3A_302, %add3A_303 : i32
          %swap3A_305 = arith.index_cast %and3A_81 : i32 to index
          %swap3A_306 = arith.index_cast %add3A_304 : i32 to index
          %swap3A_307 = arith.constant 32 : index
          %swap3A_308 = tpu.vector_load %arg12[%swap3A_305, %swap3A_306, %swap3A_307] {strides = array<i32>} : memref<2x64x128xi32, #tpu.memory_space<vmem>>, vector<1x1x16xi32>,
          %swap3A_309 = vector.shape_cast %swap3A_308 : vector<1x1x16xi32> to vector<16xi32>
          %swap3A_310 = vector.shape_cast %add3A_300 : vector<16xi32> to vector<1x1x16xi32>
          tpu.vector_store %arg12[%swap3A_305, %swap3A_306, %swap3A_307], %swap3A_310 {strides = array<i32>} : memref<2x64x128xi32, #tpu.memory_space<vmem>>, vector<1x1x16xi32>,
          %add3A_311 = arith.constant 176 : i32
          %add3A_312 = vector.broadcast %add3A_311 : i32 to vector<16xi32>
          %add3A_313 = arith.addi %gather3A_157, %add3A_312 : vector<16xi32>
          %add3A_314 = arith.addi %add3A_313, %iota3A : vector<16xi32>
          %mul3A_315 = arith.constant 2 : i32
          %mul3A_316 = arith.muli %mul3A_315, %scan3A_112 : i32
          %add3A_317 = arith.constant 1 : i32
          %add3A_318 = arith.addi %mul3A_316, %add3A_317 : i32
          %swap3A_319 = arith.index_cast %and3A_81 : i32 to index
          %swap3A_320 = arith.index_cast %add3A_318 : i32 to index
          %swap3A_321 = arith.constant 48 : index
          %swap3A_322 = tpu.vector_load %arg12[%swap3A_319, %swap3A_320, %swap3A_321] {strides = array<i32>} : memref<2x64x128xi32, #tpu.memory_space<vmem>>, vector<1x1x16xi32>,
          %swap3A_323 = vector.shape_cast %swap3A_322 : vector<1x1x16xi32> to vector<16xi32>
          %swap3A_324 = vector.shape_cast %add3A_314 : vector<16xi32> to vector<1x1x16xi32>
          tpu.vector_store %arg12[%swap3A_319, %swap3A_320, %swap3A_321], %swap3A_324 {strides = array<i32>} : memref<2x64x128xi32, #tpu.memory_space<vmem>>, vector<1x1x16xi32>,
          %add3A_325 = arith.constant 192 : i32
          %add3A_326 = vector.broadcast %add3A_325 : i32 to vector<16xi32>
          %add3A_327 = arith.addi %gather3A_157, %add3A_326 : vector<16xi32>
          %add3A_328 = arith.addi %add3A_327, %iota3A : vector<16xi32>
          %mul3A_329 = arith.constant 2 : i32
          %mul3A_330 = arith.muli %mul3A_329, %scan3A_112 : i32
          %add3A_331 = arith.constant 1 : i32
          %add3A_332 = arith.addi %mul3A_330, %add3A_331 : i32
          %swap3A_333 = arith.index_cast %and3A_81 : i32 to index
          %swap3A_334 = arith.index_cast %add3A_332 : i32 to index
          %swap3A_335 = arith.constant 64 : index
          %swap3A_336 = tpu.vector_load %arg12[%swap3A_333, %swap3A_334, %swap3A_335] {strides = array<i32>} : memref<2x64x128xi32, #tpu.memory_space<vmem>>, vector<1x1x16xi32>,
          %swap3A_337 = vector.shape_cast %swap3A_336 : vector<1x1x16xi32> to vector<16xi32>
          %swap3A_338 = vector.shape_cast %add3A_328 : vector<16xi32> to vector<1x1x16xi32>
          tpu.vector_store %arg12[%swap3A_333, %swap3A_334, %swap3A_335], %swap3A_338 {strides = array<i32>} : memref<2x64x128xi32, #tpu.memory_space<vmem>>, vector<1x1x16xi32>,
          %add3A_339 = arith.constant 208 : i32
          %add3A_340 = vector.broadcast %add3A_339 : i32 to vector<16xi32>
          %add3A_341 = arith.addi %gather3A_157, %add3A_340 : vector<16xi32>
          %add3A_342 = arith.addi %add3A_341, %iota3A : vector<16xi32>
          %mul3A_343 = arith.constant 2 : i32
          %mul3A_344 = arith.muli %mul3A_343, %scan3A_112 : i32
          %add3A_345 = arith.constant 1 : i32
          %add3A_346 = arith.addi %mul3A_344, %add3A_345 : i32
          %swap3A_347 = arith.index_cast %and3A_81 : i32 to index
          %swap3A_348 = arith.index_cast %add3A_346 : i32 to index
          %swap3A_349 = arith.constant 80 : index
          %swap3A_350 = tpu.vector_load %arg12[%swap3A_347, %swap3A_348, %swap3A_349] {strides = array<i32>} : memref<2x64x128xi32, #tpu.memory_space<vmem>>, vector<1x1x16xi32>,
          %swap3A_351 = vector.shape_cast %swap3A_350 : vector<1x1x16xi32> to vector<16xi32>
          %swap3A_352 = vector.shape_cast %add3A_342 : vector<16xi32> to vector<1x1x16xi32>
          tpu.vector_store %arg12[%swap3A_347, %swap3A_348, %swap3A_349], %swap3A_352 {strides = array<i32>} : memref<2x64x128xi32, #tpu.memory_space<vmem>>, vector<1x1x16xi32>,
          %add3A_353 = arith.constant 224 : i32
          %add3A_354 = vector.broadcast %add3A_353 : i32 to vector<16xi32>
          %add3A_355 = arith.addi %gather3A_157, %add3A_354 : vector<16xi32>
          %add3A_356 = arith.addi %add3A_355, %iota3A : vector<16xi32>
          %mul3A_357 = arith.constant 2 : i32
          %mul3A_358 = arith.muli %mul3A_357, %scan3A_112 : i32
          %add3A_359 = arith.constant 1 : i32
          %add3A_360 = arith.addi %mul3A_358, %add3A_359 : i32
          %swap3A_361 = arith.index_cast %and3A_81 : i32 to index
          %swap3A_362 = arith.index_cast %add3A_360 : i32 to index
          %swap3A_363 = arith.constant 96 : index
          %swap3A_364 = tpu.vector_load %arg12[%swap3A_361, %swap3A_362, %swap3A_363] {strides = array<i32>} : memref<2x64x128xi32, #tpu.memory_space<vmem>>, vector<1x1x16xi32>,
          %swap3A_365 = vector.shape_cast %swap3A_364 : vector<1x1x16xi32> to vector<16xi32>
          %swap3A_366 = vector.shape_cast %add3A_356 : vector<16xi32> to vector<1x1x16xi32>
          tpu.vector_store %arg12[%swap3A_361, %swap3A_362, %swap3A_363], %swap3A_366 {strides = array<i32>} : memref<2x64x128xi32, #tpu.memory_space<vmem>>, vector<1x1x16xi32>,
          %add3A_367 = arith.constant 240 : i32
          %add3A_368 = vector.broadcast %add3A_367 : i32 to vector<16xi32>
          %add3A_369 = arith.addi %gather3A_157, %add3A_368 : vector<16xi32>
          %add3A_370 = arith.addi %add3A_369, %iota3A : vector<16xi32>
          %mul3A_371 = arith.constant 2 : i32
          %mul3A_372 = arith.muli %mul3A_371, %scan3A_112 : i32
          %add3A_373 = arith.constant 1 : i32
          %add3A_374 = arith.addi %mul3A_372, %add3A_373 : i32
          %swap3A_375 = arith.index_cast %and3A_81 : i32 to index
          %swap3A_376 = arith.index_cast %add3A_374 : i32 to index
          %swap3A_377 = arith.constant 112 : index
          %swap3A_378 = tpu.vector_load %arg12[%swap3A_375, %swap3A_376, %swap3A_377] {strides = array<i32>} : memref<2x64x128xi32, #tpu.memory_space<vmem>>, vector<1x1x16xi32>,
          %swap3A_379 = vector.shape_cast %swap3A_378 : vector<1x1x16xi32> to vector<16xi32>
          %swap3A_380 = vector.shape_cast %add3A_370 : vector<16xi32> to vector<1x1x16xi32>
          tpu.vector_store %arg12[%swap3A_375, %swap3A_376, %swap3A_377], %swap3A_380 {strides = array<i32>} : memref<2x64x128xi32, #tpu.memory_space<vmem>>, vector<1x1x16xi32>,
          %scan3A_381 = arith.constant 0 : i32
          scf.yield %scan3A_381 : i32
        }
        %scan3A_96 = arith.constant 32 : i32
        %dma_wait3A_97 = arith.constant 0 : i32
        %dma_wait3A_98 = arith.constant 0 : i32
        %dma_wait3A_99 = tpu.memref_slice %arg11[%and3A_81, %dma_wait3A_97, %dma_wait3A_98] : memref<2x32x256xf32, #tpu.memory_space<vmem>> -> memref<1x32x256xf32, #tpu.memory_space<vmem>>
        %dma_wait3A_100 = tpu.memref_squeeze %dma_wait3A_99 : memref<1x32x256xf32, #tpu.memory_space<vmem>> -> memref<32x256xf32, #tpu.memory_space<vmem>>
        %dma_wait3A_101 = arith.constant 0 : i32
        %dma_wait3A_102 = arith.constant 0 : i32
        %dma_wait3A_103 = tpu.memref_slice %arg3[%dma_wait3A_101, %dma_wait3A_102] : memref<10240x256xf32, #tpu.memory_space<hbm>> -> memref<10240x256xf32, #tpu.memory_space<hbm>>
        tpu.wait_indirect_dma semaphore(%arg15 : memref<!tpu.dma_semaphore, #tpu.memory_space<semaphore_mem>>) src(%dma_wait3A_103 : memref<10240x256xf32, #tpu.memory_space<hbm>>) dst(%dma_wait3A_100 : memref<32x256xf32, #tpu.memory_space<vmem>>)
        %scan3A_104 = arith.constant 0 : i32
        %scan3A_105 = arith.constant 0 : i32
        %scan3A_106 = arith.constant 32 : i32
        %scan3A_107 = arith.addi %scan3A_105, %scan3A_106 : i32
        %scan3A_108 = arith.constant 1 : i32
        %scan3A_109 = scf.for %scan3A_112 = %scan3A_105 to %scan3A_107 step %scan3A_108 iter_args(%scan3A_113 = %scan3A_104) -> (i32)  : i32 {
          %mul3A_114 = arith.constant 2 : i32
          %mul3A_115 = arith.muli %mul3A_114, %scan3A_112 : i32
          %dma_start3A_116 = arith.constant 0 : i32
          %dma_start3A_117 = tpu.memref_slice %arg11[%and3A_81, %scan3A_112, %dma_start3A_116] : memref<2x32x256xf32, #tpu.memory_space<vmem>> -> memref<1x1x128xf32, #tpu.memory_space<vmem>>
          %dma_start3A_118 = tpu.memref_squeeze %dma_start3A_117 : memref<1x1x128xf32, #tpu.memory_space<vmem>> -> memref<128xf32, #tpu.memory_space<vmem>>
          %dma_start3A_119 = arith.constant 0 : i32
          %dma_start3A_120 = tpu.memref_slice %arg12[%and3A_81, %mul3A_115, %dma_start3A_119] : memref<2x64x128xi32, #tpu.memory_space<vmem>> -> memref<1x1x128xi32, #tpu.memory_space<vmem>>
          %dma_start3A_121 = tpu.memref_squeeze %dma_start3A_120 : memref<1x1x128xi32, #tpu.memory_space<vmem>> -> memref<128xi32, #tpu.memory_space<vmem>>
          %dma_start3A_122 = arith.constant 0 : i32
          %dma_start3A_123 = tpu.memref_slice %arg13[%dma_start3A_122] : memref<1314816xf32, #tpu.memory_space<vmem_shared>> -> memref<1314816xf32, #tpu.memory_space<vmem_shared>>
          tpu.enqueue_indirect_dma source(%dma_start3A_118 : memref<128xf32, #tpu.memory_space<vmem>>) target(%dma_start3A_123 : memref<1314816xf32, #tpu.memory_space<vmem_shared>>) offsets(%dma_start3A_121 : memref<128xi32, #tpu.memory_space<vmem>>) semaphore(%arg14 : memref<!tpu.dma_semaphore, #tpu.memory_space<semaphore_mem>>) {add = true}
          %mul3A_124 = arith.constant 2 : i32
          %mul3A_125 = arith.muli %mul3A_124, %scan3A_112 : i32
          %add3A_126 = arith.constant 1 : i32
          %add3A_127 = arith.addi %mul3A_125, %add3A_126 : i32
          %dma_start3A_128 = arith.constant 128 : i32
          %dma_start3A_129 = tpu.memref_slice %arg11[%and3A_81, %scan3A_112, %dma_start3A_128] : memref<2x32x256xf32, #tpu.memory_space<vmem>> -> memref<1x1x128xf32, #tpu.memory_space<vmem>>
          %dma_start3A_130 = tpu.memref_squeeze %dma_start3A_129 : memref<1x1x128xf32, #tpu.memory_space<vmem>> -> memref<128xf32, #tpu.memory_space<vmem>>
          %dma_start3A_131 = arith.constant 0 : i32
          %dma_start3A_132 = tpu.memref_slice %arg12[%and3A_81, %add3A_127, %dma_start3A_131] : memref<2x64x128xi32, #tpu.memory_space<vmem>> -> memref<1x1x128xi32, #tpu.memory_space<vmem>>
          %dma_start3A_133 = tpu.memref_squeeze %dma_start3A_132 : memref<1x1x128xi32, #tpu.memory_space<vmem>> -> memref<128xi32, #tpu.memory_space<vmem>>
          %dma_start3A_134 = arith.constant 0 : i32
          %dma_start3A_135 = tpu.memref_slice %arg13[%dma_start3A_134] : memref<1314816xf32, #tpu.memory_space<vmem_shared>> -> memref<1314816xf32, #tpu.memory_space<vmem_shared>>
          tpu.enqueue_indirect_dma source(%dma_start3A_130 : memref<128xf32, #tpu.memory_space<vmem>>) target(%dma_start3A_135 : memref<1314816xf32, #tpu.memory_space<vmem_shared>>) offsets(%dma_start3A_133 : memref<128xi32, #tpu.memory_space<vmem>>) semaphore(%arg14 : memref<!tpu.dma_semaphore, #tpu.memory_space<semaphore_mem>>) {add = true}
          %scan3A_136 = arith.constant 0 : i32
          scf.yield %scan3A_136 : i32
        }
        %scan3A_110 = arith.constant 32 : i32
        %scan3A_111 = arith.constant 0 : i32
        scf.yield %scan3A_111 : i32
      }
      %scan3A_41 = arith.constant 32 : i32
      %dma_wait3A = arith.constant 0 : i32
      %dma_wait3A_42 = arith.constant 0 : i32
      %dma_wait3A_43 = arith.constant 0 : i32
      %dma_wait3A_44 = tpu.memref_slice %arg11[%dma_wait3A, %dma_wait3A_42, %dma_wait3A_43] : memref<2x32x256xf32, #tpu.memory_space<vmem>> -> memref<1x32x256xf32, #tpu.memory_space<vmem>>
      %dma_wait3A_45 = tpu.memref_squeeze %dma_wait3A_44 : memref<1x32x256xf32, #tpu.memory_space<vmem>> -> memref<32x256xf32, #tpu.memory_space<vmem>>
      %dma_wait3A_46 = arith.constant 0 : i32
      %dma_wait3A_47 = arith.constant 0 : i32
      %dma_wait3A_48 = tpu.memref_slice %arg3[%dma_wait3A_46, %dma_wait3A_47] : memref<10240x256xf32, #tpu.memory_space<hbm>> -> memref<32x256xf32, #tpu.memory_space<hbm>>
      %dma_wait3A_49 = arith.constant 0 : i32
      %dma_wait3A_50 = arith.constant 0 : i32
      %dma_wait3A_51 = tpu.memref_slice %arg11[%dma_wait3A, %dma_wait3A_49, %dma_wait3A_50] : memref<2x32x256xf32, #tpu.memory_space<vmem>> -> memref<1x32x256xf32, #tpu.memory_space<vmem>>
      %dma_wait3A_52 = tpu.memref_squeeze %dma_wait3A_51 : memref<1x32x256xf32, #tpu.memory_space<vmem>> -> memref<32x256xf32, #tpu.memory_space<vmem>>
      %dma_wait3A_53 = arith.constant 0 : i32
      %dma_wait3A_54 = arith.constant 0 : i32
      %dma_wait3A_55 = tpu.memref_slice %arg3[%dma_wait3A_53, %dma_wait3A_54] : memref<10240x256xf32, #tpu.memory_space<hbm>> -> memref<32x256xf32, #tpu.memory_space<hbm>>
      tpu.wait_dma2 semaphore(%arg14 : memref<!tpu.dma_semaphore, #tpu.memory_space<semaphore_mem>>) src(%dma_wait3A_55 : memref<32x256xf32, #tpu.memory_space<hbm>>) dst(%dma_wait3A_52 : memref<32x256xf32, #tpu.memory_space<vmem>>)
      %dma_wait3A_56 = arith.constant 1 : i32
      %dma_wait3A_57 = arith.constant 0 : i32
      %dma_wait3A_58 = arith.constant 0 : i32
      %dma_wait3A_59 = tpu.memref_slice %arg11[%dma_wait3A_56, %dma_wait3A_57, %dma_wait3A_58] : memref<2x32x256xf32, #tpu.memory_space<vmem>> -> memref<1x32x256xf32, #tpu.memory_space<vmem>>
      %dma_wait3A_60 = tpu.memref_squeeze %dma_wait3A_59 : memref<1x32x256xf32, #tpu.memory_space<vmem>> -> memref<32x256xf32, #tpu.memory_space<vmem>>
      %dma_wait3A_61 = arith.constant 0 : i32
      %dma_wait3A_62 = arith.constant 0 : i32
      %dma_wait3A_63 = tpu.memref_slice %arg3[%dma_wait3A_61, %dma_wait3A_62] : memref<10240x256xf32, #tpu.memory_space<hbm>> -> memref<32x256xf32, #tpu.memory_space<hbm>>
      %dma_wait3A_64 = arith.constant 0 : i32
      %dma_wait3A_65 = arith.constant 0 : i32
      %dma_wait3A_66 = tpu.memref_slice %arg11[%dma_wait3A_56, %dma_wait3A_64, %dma_wait3A_65] : memref<2x32x256xf32, #tpu.memory_space<vmem>> -> memref<1x32x256xf32, #tpu.memory_space<vmem>>
      %dma_wait3A_67 = tpu.memref_squeeze %dma_wait3A_66 : memref<1x32x256xf32, #tpu.memory_space<vmem>> -> memref<32x256xf32, #tpu.memory_space<vmem>>
      %dma_wait3A_68 = arith.constant 0 : i32
      %dma_wait3A_69 = arith.constant 0 : i32
      %dma_wait3A_70 = tpu.memref_slice %arg3[%dma_wait3A_68, %dma_wait3A_69] : memref<10240x256xf32, #tpu.memory_space<hbm>> -> memref<32x256xf32, #tpu.memory_space<hbm>>
      tpu.wait_dma2 semaphore(%arg14 : memref<!tpu.dma_semaphore, #tpu.memory_space<semaphore_mem>>) src(%dma_wait3A_70 : memref<32x256xf32, #tpu.memory_space<hbm>>) dst(%dma_wait3A_67 : memref<32x256xf32, #tpu.memory_space<vmem>>)
      %scan3A_71 = arith.constant 0 : i32
      scf.yield %scan3A_71 : i32
    }
    %scan3A_16 = arith.constant 10 : i32
    %barrier3A_17 = arith.constant 0 : index
    tpu.barrier barrier_id(%barrier3A_17)
    %mul3A_18 = arith.constant 320 : i32
    %mul3A_19 = arith.muli %arg1, %mul3A_18 : i32
    %mul3A_20 = arith.constant 256 : i32
    %mul3A_21 = arith.muli %mul3A_19, %mul3A_20 : i32
    %mul3A_22 = arith.constant 320 : i32
    %mul3A_23 = arith.muli %arg1, %mul3A_22 : i32
    %add3A_24 = arith.addi %mul3A_0, %mul3A_23 : i32
    %mul3A_25 = arith.constant 256 : i32
    %mul3A_26 = arith.muli %add3A_24, %mul3A_25 : i32
    "tpu.region"() ({
      %run_scoped3A = tpu.sem_alloc : memref<!tpu.dma_semaphore, #tpu.memory_space<semaphore_mem>>
      %dma_start3A = tpu.memref_slice %arg6[%mul3A_26] : memref<2621440xf32, #tpu.memory_space<hbm>> -> memref<81920xf32, #tpu.memory_space<hbm>>
      %dma_start3A_27 = tpu.memref_slice %arg13[%mul3A_21] : memref<1314816xf32, #tpu.memory_space<vmem_shared>> -> memref<81920xf32, #tpu.memory_space<vmem_shared>>
      tpu.enqueue_dma source(%dma_start3A_27 : memref<81920xf32, #tpu.memory_space<vmem_shared>>) target(%dma_start3A : memref<81920xf32, #tpu.memory_space<hbm>>) target_semaphore(%run_scoped3A : memref<!tpu.dma_semaphore, #tpu.memory_space<semaphore_mem>>)
      %dma_wait3A = tpu.memref_slice %arg6[%mul3A_26] : memref<2621440xf32, #tpu.memory_space<hbm>> -> memref<81920xf32, #tpu.memory_space<hbm>>
      %dma_wait3A_28 = tpu.memref_slice %arg13[%mul3A_21] : memref<1314816xf32, #tpu.memory_space<vmem_shared>> -> memref<81920xf32, #tpu.memory_space<vmem_shared>>
      tpu.wait_dma2 semaphore(%run_scoped3A : memref<!tpu.dma_semaphore, #tpu.memory_space<semaphore_mem>>) src(%dma_wait3A_28 : memref<81920xf32, #tpu.memory_space<vmem_shared>>) dst(%dma_wait3A : memref<81920xf32, #tpu.memory_space<hbm>>)
      tpu.yield
    }) : () -> ()
    return
  }
}

module attributes {stable_mosaic.version = 14 : i64} {
  func.func @_prep_body(%arg0: memref<10240x256xf32, #tpu.memory_space<vmem>>, %arg1: memref<256x1xf32, #tpu.memory_space<vmem>>, %arg2: memref<10240x2xf32, #tpu.memory_space<vmem>>, %arg3: memref<10240x1xf32, #tpu.memory_space<vmem>>, %arg4: memref<10240x1xf32, #tpu.memory_space<vmem>>, %arg5: memref<10240x256xf32, #tpu.memory_space<vmem>>) attributes {dimension_semantics = [], scalar_prefetch = 0 : i64, scratch_operands = 0 : i64, tpu.core_type = #tpu.core_type<tc>} {
    %get3A = arith.constant 0 : index
    %get3A_0 = arith.constant 0 : index
    %get3A_1 = vector.load %arg0[%get3A, %get3A_0] : memref<10240x256xf32, #tpu.memory_space<vmem>>, vector<10240x256xf32>
    %get3A_2 = arith.constant 0 : index
    %get3A_3 = arith.constant 0 : index
    %get3A_4 = vector.load %arg1[%get3A_2, %get3A_3] : memref<256x1xf32, #tpu.memory_space<vmem>>, vector<256x1xf32>
    %mul3A = arith.mulf %get3A_4, %get3A_4 : vector<256x1xf32>
    %reduce_sum3A = vector.shape_cast %mul3A : vector<256x1xf32> to vector<1x256x1xf32>
    %reduce_sum3A_5 = arith.constant dense<0.000000e+00> : vector<1xf32>
    %reduce_sum3A_6 = vector.multi_reduction <add>, %reduce_sum3A, %reduce_sum3A_5 [1, 2] : vector<1x256x1xf32> to vector<1xf32>
    %reduce_sum3A_7 = vector.shape_cast %reduce_sum3A_6 : vector<1xf32> to vector<1x1x1xf32>
    %reduce_sum3A_8 = vector.extract %reduce_sum3A_7[0, 0, 0] : f32 from vector<1x1x1xf32>
    %sqrt3A = math.sqrt %reduce_sum3A_8 : f32
    %dot_general3A = arith.constant dense<0.000000e+00> : vector<10240x1xf32>
    %dot_general3A_9 = tpu.matmul %get3A_1, %get3A_4, %dot_general3A {dimension_numbers = #tpu.dot_dimension_numbers<[1], [0], [0], [1], [0, 0, 1, 1], [], []>, transpose_lhs_hint = false} : vector<10240x256xf32>, vector<256x1xf32>, vector<10240x1xf32> -> vector<10240x1xf32>
    %div3A = vector.broadcast %sqrt3A : f32 to vector<10240x1xf32>
    %div3A_10 = arith.divf %dot_general3A_9, %div3A : vector<10240x1xf32>
    %tanh3A = math.tanh %div3A_10 : vector<10240x1xf32>
    %iota3A = tpu.iota {dimensions = array<i32: 0>} : vector<10240x1xi32>
    %lt3A = arith.constant 10000 : i32
    %lt3A_11 = vector.broadcast %lt3A : i32 to vector<10240x1xi32>
    %lt3A_12 = arith.cmpi slt, %iota3A, %lt3A_11 : vector<10240x1xi32>
    %jit3A = arith.constant -2.000000e+00 : f32
    %broadcast_in_dim3A = vector.broadcast %jit3A : f32 to vector<10240x1xf32>
    %select_n3A = arith.select %lt3A_12, %tanh3A, %broadcast_in_dim3A : vector<10240x1xi1>, vector<10240x1xf32>
    %swap3A = arith.constant 0 : index
    %swap3A_13 = arith.constant 0 : index
    %swap3A_14 = vector.load %arg3[%swap3A, %swap3A_13] : memref<10240x1xf32, #tpu.memory_space<vmem>>, vector<10240x1xf32>
    tpu.vector_store %arg3[%swap3A, %swap3A_13], %select_n3A {strides = array<i32>} : memref<10240x1xf32, #tpu.memory_space<vmem>>, vector<10240x1xf32>,
    %get3A_15 = arith.constant 0 : index
    %get3A_16 = arith.constant 0 : index
    %get3A_17 = vector.load %arg2[%get3A_15, %get3A_16] : memref<10240x2xf32, #tpu.memory_space<vmem>>, vector<10240x2xf32>
    %slice3A = vector.extract_strided_slice %get3A_17 {offsets = [0, 0], sizes = [10240, 1], strides = [1, 1]} : vector<10240x2xf32> to vector<10240x1xf32>
    %slice3A_18 = vector.extract_strided_slice %get3A_17 {offsets = [0, 1], sizes = [10240, 1], strides = [1, 1]} : vector<10240x2xf32> to vector<10240x1xf32>
    %add3A = arith.addf %slice3A, %slice3A_18 : vector<10240x1xf32>
    %add3A_19 = arith.constant 1.000000e+00 : f32
    %add3A_20 = vector.broadcast %add3A_19 : f32 to vector<10240x1xf32>
    %add3A_21 = arith.addf %add3A, %add3A_20 : vector<10240x1xf32>
    %rsqrt3A = math.rsqrt %add3A_21 : vector<10240x1xf32>
    %swap3A_22 = arith.constant 0 : index
    %swap3A_23 = arith.constant 0 : index
    %swap3A_24 = vector.load %arg4[%swap3A_22, %swap3A_23] : memref<10240x1xf32, #tpu.memory_space<vmem>>, vector<10240x1xf32>
    tpu.vector_store %arg4[%swap3A_22, %swap3A_23], %rsqrt3A {strides = array<i32>} : memref<10240x1xf32, #tpu.memory_space<vmem>>, vector<10240x1xf32>,
    %mul3A_25 = vector.broadcast %rsqrt3A : vector<10240x1xf32> to vector<10240x256xf32>
    %mul3A_26 = arith.mulf %get3A_1, %mul3A_25 : vector<10240x256xf32>
    %swap3A_27 = arith.constant 0 : index
    %swap3A_28 = arith.constant 0 : index
    %swap3A_29 = vector.load %arg5[%swap3A_27, %swap3A_28] : memref<10240x256xf32, #tpu.memory_space<vmem>>, vector<10240x256xf32>
    tpu.vector_store %arg5[%swap3A_27, %swap3A_28], %mul3A_26 {strides = array<i32>} : memref<10240x256xf32, #tpu.memory_space<vmem>>, vector<10240x256xf32>,
    return
  }
}

module attributes {stable_mosaic.version = 14 : i64} {
  func.func @_evolve_body(%arg0: memref<80x128xf32, #tpu.memory_space<vmem>>, %arg1: memref<10240x256xf32, #tpu.memory_space<vmem>>, %arg2: memref<768x256xf32, #tpu.memory_space<vmem>>, %arg3: memref<768x256xf32, #tpu.memory_space<vmem>>, %arg4: memref<1x768xf32, #tpu.memory_space<vmem>>, %arg5: memref<1x768xf32, #tpu.memory_space<vmem>>, %arg6: memref<256x256xf32, #tpu.memory_space<vmem>>, %arg7: memref<256x256xf32, #tpu.memory_space<vmem>>) attributes {dimension_semantics = [], scalar_prefetch = 0 : i64, scratch_operands = 0 : i64, tpu.core_type = #tpu.core_type<tc>} {
    %get3A = arith.constant 0 : index
    %get3A_0 = arith.constant 0 : index
    %get3A_1 = vector.load %arg0[%get3A, %get3A_0] : memref<80x128xf32, #tpu.memory_space<vmem>>, vector<80x128xf32>
    %get3A_2 = arith.constant 0 : index
    %get3A_3 = arith.constant 0 : index
    %get3A_4 = vector.load %arg1[%get3A_2, %get3A_3] : memref<10240x256xf32, #tpu.memory_space<vmem>>, vector<10240x256xf32>
    %iota3A = tpu.iota {dimensions = array<i32: 0>} : vector<80x128xi32>
    %mul3A = arith.constant 128 : i32
    %mul3A_5 = vector.broadcast %mul3A : i32 to vector<80x128xi32>
    %mul3A_6 = arith.muli %iota3A, %mul3A_5 : vector<80x128xi32>
    %iota3A_7 = tpu.iota {dimensions = array<i32: 1>} : vector<80x128xi32>
    %add3A = arith.addi %mul3A_6, %iota3A_7 : vector<80x128xi32>
    %iota3A_8 = tpu.iota {dimensions = array<i32: 1>} : vector<1x10240xi32>
    %iota3A_9 = tpu.iota {dimensions = array<i32: 0>} : vector<256x1xi32>
    %broadcast_in_dim3A = arith.constant 0.000000e+00 : f32
    %broadcast_in_dim3A_10 = vector.broadcast %broadcast_in_dim3A : f32 to vector<256x256xf32>
    %scan3A = arith.constant 0 : i32
    %scan3A_11 = arith.constant 256 : i32
    %scan3A_12 = arith.addi %scan3A, %scan3A_11 : i32
    %scan3A_13 = arith.constant 1 : i32
    %scan3A_14:2 = scf.for %scan3A_65 = %scan3A to %scan3A_12 step %scan3A_13 iter_args(%scan3A_66 = %get3A_1, %scan3A_67 = %broadcast_in_dim3A_10) -> (vector<80x128xf32>, vector<256x256xf32>)  : i32 {
      %reduce_max3A = vector.shape_cast %scan3A_66 : vector<80x128xf32> to vector<1x80x128xf32>
      %reduce_max3A_68 = arith.constant dense<0xFF800000> : vector<1xf32>
      %reduce_max3A_69 = vector.multi_reduction <maximumf>, %reduce_max3A, %reduce_max3A_68 [1, 2] : vector<1x80x128xf32> to vector<1xf32>
      %reduce_max3A_70 = vector.shape_cast %reduce_max3A_69 : vector<1xf32> to vector<1x1x1xf32>
      %reduce_max3A_71 = vector.extract %reduce_max3A_70[0, 0, 0] : f32 from vector<1x1x1xf32>
      %eq3A = vector.broadcast %reduce_max3A_71 : f32 to vector<80x128xf32>
      %eq3A_72 = arith.cmpf oeq, %scan3A_66, %eq3A : vector<80x128xf32>
      %jit3A = arith.constant 1073741824 : i32
      %broadcast_in_dim3A_73 = vector.broadcast %jit3A : i32 to vector<80x128xi32>
      %select_n3A = arith.select %eq3A_72, %add3A, %broadcast_in_dim3A_73 : vector<80x128xi1>, vector<80x128xi32>
      %reduce_min3A = vector.shape_cast %select_n3A : vector<80x128xi32> to vector<1x80x128xi32>
      %reduce_min3A_74 = arith.constant dense<2147483647> : vector<1xi32>
      %reduce_min3A_75 = vector.multi_reduction <minsi>, %reduce_min3A, %reduce_min3A_74 [1, 2] : vector<1x80x128xi32> to vector<1xi32>
      %reduce_min3A_76 = vector.shape_cast %reduce_min3A_75 : vector<1xi32> to vector<1x1x1xi32>
      %reduce_min3A_77 = vector.extract %reduce_min3A_76[0, 0, 0] : i32 from vector<1x1x1xi32>
      %eq3A_78 = vector.broadcast %reduce_min3A_77 : i32 to vector<1x10240xi32>
      %eq3A_79 = arith.cmpi eq, %iota3A_8, %eq3A_78 : vector<1x10240xi32>
      %convert_element_type3A = arith.extui %eq3A_79 : vector<1x10240xi1> to vector<1x10240xi32>
      %convert_element_type3A_80 = arith.sitofp %convert_element_type3A : vector<1x10240xi32> to vector<1x10240xf32>
      %dot_general3A_81 = arith.constant dense<0.000000e+00> : vector<1x256xf32>
      %dot_general3A_82 = tpu.matmul %convert_element_type3A_80, %get3A_4, %dot_general3A_81 {dimension_numbers = #tpu.dot_dimension_numbers<[1], [0], [0], [1], [0, 0, 1, 1], [], []>, transpose_lhs_hint = false} : vector<1x10240xf32>, vector<10240x256xf32>, vector<1x256xf32> -> vector<1x256xf32>
      %mul3A_83 = vector.broadcast %reduce_max3A_71 : f32 to vector<1x256xf32>
      %mul3A_84 = arith.mulf %dot_general3A_82, %mul3A_83 : vector<1x256xf32>
      %eq3A_85 = vector.broadcast %scan3A_65 : i32 to vector<256x1xi32>
      %eq3A_86 = arith.cmpi eq, %iota3A_9, %eq3A_85 : vector<256x1xi32>
      %broadcast_in_dim3A_87 = vector.shape_cast %eq3A_86 : vector<256x1xi1> to vector<256x1xi1>
      %broadcast_in_dim3A_88 = vector.broadcast %broadcast_in_dim3A_87 : vector<256x1xi1> to vector<256x256xi1>
      %broadcast_in_dim3A_89 = vector.shape_cast %mul3A_84 : vector<1x256xf32> to vector<1x256xf32>
      %broadcast_in_dim3A_90 = vector.broadcast %broadcast_in_dim3A_89 : vector<1x256xf32> to vector<256x256xf32>
      %select_n3A_91 = arith.select %broadcast_in_dim3A_88, %broadcast_in_dim3A_90, %scan3A_67 : vector<256x256xi1>, vector<256x256xf32>
      %eq3A_92 = vector.broadcast %reduce_min3A_77 : i32 to vector<80x128xi32>
      %eq3A_93 = arith.cmpi eq, %add3A, %eq3A_92 : vector<80x128xi32>
      %jit3A_94 = arith.constant -3.000000e+38 : f32
      %broadcast_in_dim3A_95 = vector.broadcast %jit3A_94 : f32 to vector<80x128xf32>
      %select_n3A_96 = arith.select %eq3A_93, %broadcast_in_dim3A_95, %scan3A_66 : vector<80x128xi1>, vector<80x128xf32>
      scf.yield %select_n3A_96, %select_n3A_91 : vector<80x128xf32>, vector<256x256xf32>
    }
    %scan3A_15 = arith.constant 256 : i32
    %get3A_16 = arith.constant 0 : index
    %get3A_17 = arith.constant 0 : index
    %get3A_18 = vector.load %arg6[%get3A_16, %get3A_17] : memref<256x256xf32, #tpu.memory_space<vmem>>, vector<256x256xf32>
    %get3A_19 = arith.constant 0 : index
    %get3A_20 = arith.constant 0 : index
    %get3A_21 = vector.load %arg2[%get3A_19, %get3A_20] : memref<768x256xf32, #tpu.memory_space<vmem>>, vector<768x256xf32>
    %dot_general3A = arith.constant dense<0.000000e+00> : vector<256x768xf32>
    %dot_general3A_22 = tpu.matmul %scan3A_14#1, %get3A_21, %dot_general3A {dimension_numbers = #tpu.dot_dimension_numbers<[1], [1], [0], [0], [0, 0, 1, 0], [], []>, precision = #tpu.contract_precision<fp32>, transpose_lhs_hint = false} : vector<256x256xf32>, vector<768x256xf32>, vector<256x768xf32> -> vector<256x768xf32>
    %get3A_23 = arith.constant 0 : index
    %get3A_24 = arith.constant 0 : index
    %get3A_25 = vector.load %arg4[%get3A_23, %get3A_24] : memref<1x768xf32, #tpu.memory_space<vmem>>, vector<1x768xf32>
    %add3A_26 = vector.broadcast %get3A_25 : vector<1x768xf32> to vector<256x768xf32>
    %add3A_27 = arith.addf %dot_general3A_22, %add3A_26 : vector<256x768xf32>
    %get3A_28 = arith.constant 0 : index
    %get3A_29 = arith.constant 0 : index
    %get3A_30 = vector.load %arg3[%get3A_28, %get3A_29] : memref<768x256xf32, #tpu.memory_space<vmem>>, vector<768x256xf32>
    %dot_general3A_31 = arith.constant dense<0.000000e+00> : vector<256x768xf32>
    %dot_general3A_32 = tpu.matmul %get3A_18, %get3A_30, %dot_general3A_31 {dimension_numbers = #tpu.dot_dimension_numbers<[1], [1], [0], [0], [0, 0, 1, 0], [], []>, precision = #tpu.contract_precision<fp32>, transpose_lhs_hint = false} : vector<256x256xf32>, vector<768x256xf32>, vector<256x768xf32> -> vector<256x768xf32>
    %get3A_33 = arith.constant 0 : index
    %get3A_34 = arith.constant 0 : index
    %get3A_35 = vector.load %arg5[%get3A_33, %get3A_34] : memref<1x768xf32, #tpu.memory_space<vmem>>, vector<1x768xf32>
    %add3A_36 = vector.broadcast %get3A_35 : vector<1x768xf32> to vector<256x768xf32>
    %add3A_37 = arith.addf %dot_general3A_32, %add3A_36 : vector<256x768xf32>
    %slice3A = vector.extract_strided_slice %add3A_27 {offsets = [0, 0], sizes = [256, 256], strides = [1, 1]} : vector<256x768xf32> to vector<256x256xf32>
    %slice3A_38 = vector.extract_strided_slice %add3A_37 {offsets = [0, 0], sizes = [256, 256], strides = [1, 1]} : vector<256x768xf32> to vector<256x256xf32>
    %add3A_39 = arith.addf %slice3A, %slice3A_38 : vector<256x256xf32>
    %logistic3A = arith.negf %add3A_39 : vector<256x256xf32>
    %logistic3A_40 = math.exp %logistic3A : vector<256x256xf32>
    %logistic3A_41 = arith.constant 1.000000e+00 : f32
    %logistic3A_42 = vector.broadcast %logistic3A_41 : f32 to vector<256x256xf32>
    %logistic3A_43 = arith.addf %logistic3A_42, %logistic3A_40 : vector<256x256xf32>
    %logistic3A_44 = arith.divf %logistic3A_42, %logistic3A_43 : vector<256x256xf32>
    %slice3A_45 = vector.extract_strided_slice %add3A_27 {offsets = [0, 256], sizes = [256, 256], strides = [1, 1]} : vector<256x768xf32> to vector<256x256xf32>
    %slice3A_46 = vector.extract_strided_slice %add3A_37 {offsets = [0, 256], sizes = [256, 256], strides = [1, 1]} : vector<256x768xf32> to vector<256x256xf32>
    %add3A_47 = arith.addf %slice3A_45, %slice3A_46 : vector<256x256xf32>
    %logistic3A_48 = arith.negf %add3A_47 : vector<256x256xf32>
    %logistic3A_49 = math.exp %logistic3A_48 : vector<256x256xf32>
    %logistic3A_50 = arith.constant 1.000000e+00 : f32
    %logistic3A_51 = vector.broadcast %logistic3A_50 : f32 to vector<256x256xf32>
    %logistic3A_52 = arith.addf %logistic3A_51, %logistic3A_49 : vector<256x256xf32>
    %logistic3A_53 = arith.divf %logistic3A_51, %logistic3A_52 : vector<256x256xf32>
    %slice3A_54 = vector.extract_strided_slice %add3A_27 {offsets = [0, 512], sizes = [256, 256], strides = [1, 1]} : vector<256x768xf32> to vector<256x256xf32>
    %slice3A_55 = vector.extract_strided_slice %add3A_37 {offsets = [0, 512], sizes = [256, 256], strides = [1, 1]} : vector<256x768xf32> to vector<256x256xf32>
    %mul3A_56 = arith.mulf %logistic3A_44, %slice3A_55 : vector<256x256xf32>
    %add3A_57 = arith.addf %slice3A_54, %mul3A_56 : vector<256x256xf32>
    %tanh3A = math.tanh %add3A_57 : vector<256x256xf32>
    %sub3A = arith.constant 1.000000e+00 : f32
    %sub3A_58 = vector.broadcast %sub3A : f32 to vector<256x256xf32>
    %sub3A_59 = arith.subf %sub3A_58, %logistic3A_53 : vector<256x256xf32>
    %mul3A_60 = arith.mulf %sub3A_59, %tanh3A : vector<256x256xf32>
    %mul3A_61 = arith.mulf %logistic3A_53, %get3A_18 : vector<256x256xf32>
    %add3A_62 = arith.addf %mul3A_60, %mul3A_61 : vector<256x256xf32>
    %swap3A = arith.constant 0 : index
    %swap3A_63 = arith.constant 0 : index
    %swap3A_64 = vector.load %arg7[%swap3A, %swap3A_63] : memref<256x256xf32, #tpu.memory_space<vmem>>, vector<256x256xf32>
    tpu.vector_store %arg7[%swap3A, %swap3A_63], %add3A_62 {strides = array<i32>} : memref<256x256xf32, #tpu.memory_space<vmem>>, vector<256x256xf32>,
    return
  }
}

module attributes {stable_mosaic.version = 14 : i64} {
  func.func @_final_body(%arg0: i32, %arg1: memref<512x256xf32, #tpu.memory_space<vmem>>, %arg2: memref<512x1xf32, #tpu.memory_space<vmem>>, %arg3: memref<256x256xf32, #tpu.memory_space<vmem>>, %arg4: memref<256x256xf32, #tpu.memory_space<vmem>>, %arg5: memref<1x256xf32, #tpu.memory_space<vmem>>, %arg6: memref<512x256xf32, #tpu.memory_space<vmem>>) attributes {dimension_semantics = [#tpu.dimension_semantics<arbitrary>], iteration_bounds = array<i64: 20>, scalar_prefetch = 0 : i64, scratch_operands = 0 : i64, tpu.core_type = #tpu.core_type<tc>, window_params = [{transform_indices = @transform_0, window_bounds = array<i64: 512, 256>}, {transform_indices = @transform_1, window_bounds = array<i64: 512, 1>}, {pipeline_mode = #tpu.pipeline_mode<synchronous>, transform_indices = @transform_2, window_bounds = array<i64: 256, 256>}, {pipeline_mode = #tpu.pipeline_mode<synchronous>, transform_indices = @transform_3, window_bounds = array<i64: 256, 256>}, {pipeline_mode = #tpu.pipeline_mode<synchronous>, transform_indices = @transform_4, window_bounds = array<i64: 1, 256>}, {transform_indices = @transform_5, window_bounds = array<i64: 512, 256>}]} {
    %get3A = arith.constant 0 : index
    %get3A_0 = arith.constant 0 : index
    %get3A_1 = vector.load %arg1[%get3A, %get3A_0] : memref<512x256xf32, #tpu.memory_space<vmem>>, vector<512x256xf32>
    %get3A_2 = arith.constant 0 : index
    %get3A_3 = arith.constant 0 : index
    %get3A_4 = vector.load %arg3[%get3A_2, %get3A_3] : memref<256x256xf32, #tpu.memory_space<vmem>>, vector<256x256xf32>
    %dot_general3A = arith.constant dense<0.000000e+00> : vector<512x256xf32>
    %dot_general3A_5 = tpu.matmul %get3A_1, %get3A_4, %dot_general3A {dimension_numbers = #tpu.dot_dimension_numbers<[1], [0], [0], [1], [0, 0, 1, 1], [], []>, precision = #tpu.contract_precision<fp32>, transpose_lhs_hint = false} : vector<512x256xf32>, vector<256x256xf32>, vector<512x256xf32> -> vector<512x256xf32>
    %get3A_6 = arith.constant 0 : index
    %get3A_7 = arith.constant 0 : index
    %get3A_8 = vector.load %arg2[%get3A_6, %get3A_7] : memref<512x1xf32, #tpu.memory_space<vmem>>, vector<512x1xf32>
    %mul3A = vector.broadcast %get3A_8 : vector<512x1xf32> to vector<512x256xf32>
    %mul3A_9 = arith.mulf %dot_general3A_5, %mul3A : vector<512x256xf32>
    %max3A = arith.constant 0.000000e+00 : f32
    %max3A_10 = vector.broadcast %max3A : f32 to vector<512x256xf32>
    %max3A_11 = arith.maximumf %mul3A_9, %max3A_10 : vector<512x256xf32>
    %get3A_12 = arith.constant 0 : index
    %get3A_13 = arith.constant 0 : index
    %get3A_14 = vector.load %arg4[%get3A_12, %get3A_13] : memref<256x256xf32, #tpu.memory_space<vmem>>, vector<256x256xf32>
    %dot_general3A_15 = arith.constant dense<0.000000e+00> : vector<512x256xf32>
    %dot_general3A_16 = tpu.matmul %max3A_11, %get3A_14, %dot_general3A_15 {dimension_numbers = #tpu.dot_dimension_numbers<[1], [1], [0], [0], [0, 0, 1, 0], [], []>, precision = #tpu.contract_precision<fp32>, transpose_lhs_hint = false} : vector<512x256xf32>, vector<256x256xf32>, vector<512x256xf32> -> vector<512x256xf32>
    %get3A_17 = arith.constant 0 : index
    %get3A_18 = arith.constant 0 : index
    %get3A_19 = vector.load %arg5[%get3A_17, %get3A_18] : memref<1x256xf32, #tpu.memory_space<vmem>>, vector<1x256xf32>
    %add3A = vector.broadcast %get3A_19 : vector<1x256xf32> to vector<512x256xf32>
    %add3A_20 = arith.addf %dot_general3A_16, %add3A : vector<512x256xf32>
    %swap3A = arith.constant 0 : index
    %swap3A_21 = arith.constant 0 : index
    %swap3A_22 = vector.load %arg6[%swap3A, %swap3A_21] : memref<512x256xf32, #tpu.memory_space<vmem>>, vector<512x256xf32>
    tpu.vector_store %arg6[%swap3A, %swap3A_21], %add3A_20 {strides = array<i32>} : memref<512x256xf32, #tpu.memory_space<vmem>>, vector<512x256xf32>,
    return
  }
  func.func @transform_0(%arg0: i32) -> (i32, i32) {
    %c0_i32 = arith.constant 0 : i32
    %c0_i32_0 = arith.constant 0 : i32
    return %arg0, %c0_i32 : i32, i32
  }
  func.func @transform_1(%arg0: i32) -> (i32, i32) {
    %c0_i32 = arith.constant 0 : i32
    %c0_i32_0 = arith.constant 0 : i32
    return %arg0, %c0_i32 : i32, i32
  }
  func.func @transform_2(%arg0: i32) -> (i32, i32) {
    %c0_i32 = arith.constant 0 : i32
    %c0_i32_0 = arith.constant 0 : i32
    %c0_i32_1 = arith.constant 0 : i32
    return %c0_i32, %c0_i32_0 : i32, i32
  }
  func.func @transform_3(%arg0: i32) -> (i32, i32) {
    %c0_i32 = arith.constant 0 : i32
    %c0_i32_0 = arith.constant 0 : i32
    %c0_i32_1 = arith.constant 0 : i32
    return %c0_i32, %c0_i32_0 : i32, i32
  }
  func.func @transform_4(%arg0: i32) -> (i32, i32) {
    %c0_i32 = arith.constant 0 : i32
    %c0_i32_0 = arith.constant 0 : i32
    %c0_i32_1 = arith.constant 0 : i32
    return %c0_i32, %c0_i32_0 : i32, i32
  }
  func.func @transform_5(%arg0: i32) -> (i32, i32) {
    %c0_i32 = arith.constant 0 : i32
    %c0_i32_0 = arith.constant 0 : i32
    return %arg0, %c0_i32 : i32, i32
  }
}

</mosaic_0001>

<sc_bundles>
// kernel: kernel.10.cloned.1.call-start
scs
__scs_entry_jumppad:
0x0: {  	(pc) =	sbr.rel $0x88, $3  }
0x1: {  	(tag) =	ssettag $0x0;
	lr =	simm.s32 $0x1  }
0x2: {  	[smem:$0x3F97] =	sst lr;
	_ =	strace $0xD0000000  }
0x3: {  	_ = 	snop  }
0x4: {  	_ = 	snop  }
0x5: {  	_ = 	snop  }
0x6: {  	_ = 	snop  }
0x7: {  	_ = 	snop  }
__scs_overlays_trampoline_lowered:
0x8: {  	[smem:$0x3FA6] =	sst s0  }
0x9: {  	[smem:$0x3FA7] =	sst s1  }
0xa: {  	[smem:$0x3FA8] =	sst s2  }
0xb: {  	[smem:$0x3FA9] =	sst s3  }
0xc: {  	[smem:$0x3FAA] =	sst s4  }
0xd: {  	[smem:$0x3FAB] =	sst s5  }
0xe: {  	[smem:$0x3FAC] =	sst s6  }
0xf: {  	[smem:$0x3FAD] =	sst s7  }
0x10: {  	[smem:$0x3FAE] =	sst s8  }
0x11: {  	[smem:$0x3FAF] =	sst s9;
	s0 =	simm.s32 @!p0 $0x0  }
0x12: {  	s1 =	sld [smem:$0x3F95];
	s0 =	simm.s32 @p0 $0x1  }
0x13: {  	[smem:$0x3FB0] =	sst s0;
	s0 =	simm.s32 @!p1 $0x0  }
0x14: {  	s2 =	sld [smem:$0x3F94];
	s0 =	simm.s32 @p1 $0x1  }
0x15: {  	[smem:$0x3FB1] =	sst s0;
	s0 =	simm.s32 @!p2 $0x0  }
0x16: {  	s3 =	sld [smem:$0x3FDB];
	s0 =	simm.s32 @p2 $0x1  }
0x17: {  	s4 =	simm.s32 $0x1BF5;
	[smem:$0x3FB3] =	sst s0  }
0x18: {  	s0 =	sld [smem:$0x3F96];
	_ =	swait.ge [sflag:s4], $0x0  }
0x19: {  	s7 =	sld [smem:$0x3F97]  }
0x1a: {  	s8 =	sadd.s32 $0xFFFFE003, lr  }
0x1b: {  	s9 =	sadd.s32 $0xFFFFFEF7, lr;
	s5 =	simm.s32 $0xFFFFFFFF;
	p2 =	slt.u32 s8, $0xFFFFF086  }
0x1c: {  	p1 =	slt.u32 s9, $0xF7A;
	s5 =	simm.s32 @!p2 $0x0  }
0x1d: {  	s5 =	simm.s32 @p1 $0x1;
	p0 =	seq.s32 s7, s2  }
0x1e: {  	s7 =	smul.u32 @!p0 $0xF7A, s2;
	p2 =	seq.s32 @!p0 s5, $0x0  }
0x1f: {  	s9 =	smul.u32 $0xF7A, s1;
	s8 =	simm.s32 @!p0 $0x1BF5;
	p2 =	por !p2, p0  }
0x20: {  	[sflag:s8] =	ssyncset.s32 @!p0 $0xFFFFF086;
	s6 =	sadd.s32 @!p0 s3, s7;
	s7 =	simm.s32 @!p0 $0x108  }
0x21: {  	s3 =	sadd.s32 s3, s9;
	s6 =	sadd.s32 @!p0 $0x88, s6;
	s7 =	simm.s32 @p2 $0x1082  }
0x22: {  	[simem:s7], [sflag:s8] =	dma.local @!p0 [hbm:s6], $0xF7A  }
0x23: {  	s9 =	sor.u32 $0xD0000000, s2;
	s6 =	simm.s32 $0x108;
	_ =	swait.ge @!p0 [sflag:s8], $0x0  }
0x24: {  	s3 =	sadd.s32 $0x88, s3;
	s6 =	simm.s32 @!p1 $0x1082;
	[sflag:s4] =	ssyncset.s32 $0xFFFFF086  }
0x25: {  	[simem:s6], [sflag:s4] =	dma.local [hbm:s3], $0xF7A  }
0x26: {  	[smem:$0x3F97] =	sst s1;
	(tag) =	ssettag s2;
	_ =	strace s9  }
0x27: {  	s1 =	sld [smem:$0x3FA7]  }
0x28: {  	s2 =	sld [smem:$0x3FA8]  }
0x29: {  	s4 =	sld [smem:$0x3FAA]  }
0x2a: {  	p0 =	seq.s32 s5, $0x0;
	s5 =	sld [smem:$0x3FAB]  }
0x2b: {  	s6 =	sld [smem:$0x3FAC]  }
0x2c: {  	s7 =	sld [smem:$0x3FAD]  }
0x2d: {  	s3 =	simm.s32 $0x108;
	s8 =	sld [smem:$0x3FAE]  }
0x2e: {  	s3 =	simm.s32 @!p0 $0x1082;
	s9 =	sld [smem:$0x3FAF]  }
0x2f: {  	lr =	sadd.s32 s0, s3;
	s0 =	sld [smem:$0x3FA6]  }
0x30: {  	s3 =	sld [smem:$0x3FA9]  }
0x31: {  	[smem:$0x3FB2] =	sst s10  }
0x32: {  	s10 =	sld [smem:$0x3FB0];
	_ =	sdelay $0x3  }
0x33: {  	p0 =	seq.s32 s10, $0x1;
	s10 =	sld [smem:$0x3FB2];
	_ =	sdelay $0x3  }
0x34: {  	[smem:$0x3FB2] =	sst s10  }
0x35: {  	s10 =	sld [smem:$0x3FB1];
	_ =	sdelay $0x3  }
0x36: {  	p1 =	seq.s32 s10, $0x1;
	s10 =	sld [smem:$0x3FB2];
	_ =	sdelay $0x3  }
0x37: {  	[smem:$0x3FB2] =	sst s10  }
0x38: {  	s10 =	sld [smem:$0x3FB3]  }
0x39: {  	_ = 	snop;
	(pc) =	sbr.ind lr, $3  }
0x3a: {  	_ = 	snop  }
0x3b: {  	_ = 	snop  }
0x3c: {  	p2 =	seq.s32 s10, $0x1;
	s10 =	sld [smem:$0x3FB2]  }
0x3d: {  	_ =	shalt  }
0x3e: {  	_ =	shalt  }
0x3f: {  	_ =	shalt  }
0x40: {  	_ =	shalt  }
0x41: {  	_ =	shalt  }
0x42: {  	_ =	shalt  }
0x43: {  	_ =	shalt  }
0x44: {  	_ =	shalt  }
0x45: {  	_ =	shalt  }
0x46: {  	_ =	shalt  }
0x47: {  	_ =	shalt  }
0x48: {  	_ =	shalt  }
0x49: {  	_ =	shalt  }
0x4a: {  	_ =	shalt  }
0x4b: {  	_ =	shalt  }
0x4c: {  	_ =	shalt  }
0x4d: {  	_ =	shalt  }
0x4e: {  	_ =	shalt  }
0x4f: {  	_ =	shalt  }
0x50: {  	_ =	shalt  }
0x51: {  	_ =	shalt  }
0x52: {  	_ =	shalt  }
0x53: {  	_ =	shalt  }
0x54: {  	_ =	shalt  }
0x55: {  	_ =	shalt  }
0x56: {  	_ =	shalt  }
0x57: {  	_ =	shalt  }
0x58: {  	_ =	shalt  }
0x59: {  	_ =	shalt  }
0x5a: {  	_ =	shalt  }
0x5b: {  	_ =	shalt  }
0x5c: {  	_ =	shalt  }
0x5d: {  	_ =	shalt  }
0x5e: {  	_ =	shalt  }
0x5f: {  	_ =	shalt  }
0x60: {  	_ =	shalt  }
0x61: {  	_ =	shalt  }
0x62: {  	_ =	shalt  }
0x63: {  	_ =	shalt  }
0x64: {  	_ =	shalt  }
0x65: {  	_ =	shalt  }
0x66: {  	_ =	shalt  }
0x67: {  	_ =	shalt  }
0x68: {  	_ =	shalt  }
0x69: {  	_ =	shalt  }
0x6a: {  	_ =	shalt  }
0x6b: {  	_ =	shalt  }
0x6c: {  	_ =	shalt  }
0x6d: {  	_ =	shalt  }
0x6e: {  	_ =	shalt  }
0x6f: {  	_ =	shalt  }
0x70: {  	_ =	shalt  }
0x71: {  	_ =	shalt  }
0x72: {  	_ =	shalt  }
0x73: {  	_ =	shalt  }
0x74: {  	_ =	shalt  }
0x75: {  	_ =	shalt  }
0x76: {  	_ =	shalt  }
0x77: {  	_ =	shalt  }
0x78: {  	_ =	shalt  }
0x79: {  	_ =	shalt  }
0x7a: {  	_ =	shalt  }
0x7b: {  	_ =	shalt  }
0x7c: {  	_ =	shalt  }
0x7d: {  	_ =	shalt  }
0x7e: {  	_ =	shalt  }
0x7f: {  	_ =	shalt  }
0x80: {  	_ =	shalt  }
0x81: {  	_ =	shalt  }
0x82: {  	_ =	shalt  }
0x83: {  	_ =	shalt  }
0x84: {  	_ =	shalt  }
0x85: {  	_ =	shalt  }
0x86: {  	_ =	shalt  }
0x87: {  	_ =	shalt  }
.Lfunc_end0:
.L_simem_size_0:
called_computation.1_lowered:
.L_overlay_start_0:
0x88: {  	s2 =	sld [smem:$0x3FD9]  }
0x89: {  	s3 =	sld [smem:$0x3FFE];
	_ =	sdelay $0x1  }
0x8a: {  	s1 =	srdreg.scid  }
0x8b: {  	s0 =	sand.u32 $0x1, s1  }
0x8c: {  	s16 =	sshll.u32 s0, $0xA;
	s2 =	sadd.s32 s3, s2  }
0x8d: {  	s2 =	sadd.s32 s2, s16  }
0x8e: {  	[smem:$0x3FBE] =	sst s2  }
0x8f: {  	_ = 	snop  }
0x90: {  	(tm) =	ssettm $0x1  }
0x91: {  	s17 =	sld [smem:$0x3FFB];
	_ =	sdelay $0x3  }
0x92: {  	_ =	strace s17  }
0x93: {  	s2 =	sld [smem:$0x3FFC];
	_ =	sdelay $0x3  }
0x94: {  	_ =	strace s2  }
0x95: {  	s2 =	sld [smem:$0x3FFD];
	_ =	sdelay $0x3  }
0x96: {  	_ =	strace s2  }
0x97: {  	_ =	strace $0x8FFFFFFF  }
0x98: {  	s18 =	sld [smem:$0x3FDB];
	_ =	sdelay $0x1  }
0x99: {  	s19 =	simm.s32 $_scs_section_size  }
0x9a: {  	s4 =	simm.s32 $_size__tile_overlayer_lowered;
	s5 =	simm.s32 $_tile_overlayer_lowered  }
0x9b: {  	s22 =	simm.s32 $0x1BFF;
	s21 =	sshll.u32 s5, $0x1;
	s2 =	sadd.s32 s19, s18  }
0x9c: {  	s6 =	simm.s32 $0x0;
	s20 =	sshll.u32 s4, $0x1;
	s4 =	sadd.s32 s21, s2  }
0x9d: {  	[timem:s6], [sflag:s22] =	dma.local [hbm:s4], s20  }
0x9e: {  	_ =	swait.ge [sflag:s22], s20  }
0x9f: {  	s3 =	ssub.s32 $0x0, s20;
	[sflag:s22] =	ssyncset.done $0x0  }
0xa0: {  	[sflag:s22] =	ssyncadd.s32 s3;
	_ =	sdelay $0x1  }
0xa1: {  	s23 =	simm.s32 $0x1B8B  }
0xa2: {  	_ =	swait.ge [sflag:s23], $0x1  }
0xa3: {  	[sflag:s23] =	ssyncset.done $0x0  }
0xa4: {  	s25 =	simm.s32 $0x1B8E;
	s24 =	sld [smem:$0x3FFE];
	[sflag:s23] =	ssyncadd.s32 $0xFFFFFFFF  }
0xa5: {  	s26 =	simm.s32 $execute0_lowered;
	[smem:$0x3FD2] =	sst s25  }
0xa6: {  	s4 =	sshll.u32 s26, $0x1;
	_ =	strace $0x80000049;
	[dreg:$0x1] =	wrdreg $0xFFFFFFFF  }
0xa7: {  	s28 =	simm.s32 $_size_execute0_lowered;
	s2 =	sadd.s32 s2, s4;
	[dreg:$0x0] =	wrdreg $0x0  }
0xa8: {  	s4 =	sshll.u32 s28, $0x1;
	[dreg:$0x2] =	wrdreg s2  }
0xa9: {  	[dreg:$0x3] =	wrdreg s4  }
0xaa: {  	[dreg:$0x4] =	wrdreg $0xC0  }
0xab: {  	_ =	task [dreg:s6], $0x5FFFF  }
0xac: {  	[dreg:$0x1] =	wrdreg $0xFFFFFFFF  }
0xad: {  	[dreg:$0x0] =	wrdreg $0x60  }
0xae: {  	[dreg:$0x2] =	wrdreg s24  }
0xaf: {  	[dreg:$0x3] =	wrdreg $0x89000  }
0xb0: {  	[dreg:$0x4] =	wrdreg $0x9  }
0xb1: {  	_ =	task.clear_ibuf [dreg:s6], $0x5FFFF;
	_ =	strace $0x90000049  }
0xb2: {  	s29 =	simm.s32 $0x9;
	_ =	strace $0x8000004B  }
0xb3: {  	_ =	swait.ge [sflag:s29], $0x1  }
0xb4: {  	[sflag:s29] =	ssyncadd.s32 $0xFFFFFFFF  }
0xb5: {  	_ =	strace $0x9000004B  }
0xb6: {  	_ =	sfence  }
0xb7: {  	s30 =	sld [smem:$0x0];
	_ =	sdelay $0x2  }
0xb8: {  	s31 =	sshll.u32 s1, $0xD;
	s1 =	sshrl.u32 s1, $0x2  }
0xb9: {  	s3 =	sand.u32 $0x4000, s31;
	s1 =	sadd.s32 s1, s30  }
0xba: {  	s0 =	sor.u32 s3, s0;
	s1 =	sshll.u32 s1, $0x11  }
0xbb: {  	s0 =	sor.u32 s1, s0  }
0xbc: {  	s0 =	sadd.s32 $0x8F2B, s0  }
0xbd: {  	[sflag:s0] =	ssyncadd.remote.s32 $0x1  }
0xbe: {  	_ =	sfence.sel $0xFFFF  }
0xbf: {  	[dreg:$0x0] =	wrdreg $0xFFFFFFFF;
	(pc) =	sbr.abs _section_cstart, $3  }
0xc0: {  	[dreg:$0x1] =	wrdreg $0xFFFFFFFF  }
0xc1: {  	_ =	task.clear_ibuf [dreg:s6], $0x2FFFF;
	_ =	strace $0x9FFFFFFF  }
0xc2: {  	(tm) =	ssettm $0x7FFFFFFF  }
0xc3: {  	_ =	shalt  }
tec
execute0_lowered:
.L_overlay_start_1:
0x0: {  	(tag) =	ssettag $0x1  }
0x1: {  	s7 =	rddreg [dreg:$0x0]  }
0x2: {  	s1 =	rddreg [dreg:$0x1];
	s2 =	srdreg.scid  }
0x3: {  	s0 =	rddreg [dreg:$0x2];
	s3 =	simm.s32 $0x0;
	s15 =	simm.s32 $0x1  }
0x4: {  	s16 =	simm.s32 $0x2;
	s6 =	sand.u32 $0x1, s2;
	s2 =	stileid.u32  }
0x5: {  	s17 =	simm.s32 $0x80;
	s18 =	simm.s32 $0x0;
	s8 =	smul.u32 $0x1400, s6;
	v1 =	vmov s2  }
0x6: {  	vm0 =	vmmov $0xffff;
	[smem:$0x7FF] =	sst s3;
	s4 =	sadd.s32 $0x5C200, s7;
	s9 =	smul.u32 $0x140, s2;
	v2 =	vor.u32 $0x1400, v1;
	v1 =	vlaneseq.u32  }
0x7: {  	s5 =	sadd.s32 $0x7200, s7;
	_ =	strace $0x8000004A;
	s11 =	smul.u32 $0x50000, s2;
	v0 =	vmov s8;
	v2 =	vbroadcast v2, $0x0;
	v3 =	vand.u32 $0x7, v1  }
0x8: {  	s10 =	ssub.s32 $0x2, s6;
	s6 =	sadd.s32 $0x1800, s7;
	s31 =	sshll.u32 s2, $0x6;
	v4 =	vshrl.u32 v1, $0x3;
	v5 =	vor.u32 $0x8, v1;
	v6 =	vor.u32 $0x10, v1  }
0x9: {  	s29 =	sshrl.u32 s10, $0x1;
	s9 =	sadd.s32 s9, s8;
	s30 =	sshrl.u32 s11, $0x2;
	v7 =	vor.u32 $0x20, v1;
	v8 =	vor.u32 $0x30, v1;
	v9 =	vor.u32 $0x40, v1  }
0xa: {  	s13 =	ssub.s32 s10, s29;
	v10 =	vor.u32 $0x50, v1;
	v11 =	vor.u32 $0x60, v1;
	v12 =	vor.u32 $0x70, v1;
	s28 =	sshll.u32 s9, $0x5;
	s14 =	sadd.s32 s30, s1  }
0xb: {  	v13 =	vor.u32 $0x80, v1;
	v14 =	vor.u32 $0x90, v1;
	v15 =	vor.u32 $0xA0, v1;
	s9 =	sor.u32 $0x1C03, s31;
	s11 =	smax.u32 s13, $0x1;
	s12 =	sadd.s32 s28, s7  }
0xc: {  	v16 =	vor.u32 $0xB0, v1;
	v17 =	vor.u32 $0xC0, v1;
	v18 =	vor.u32 $0xD0, v1;
	s13 =	simm.s32 $0x3;
	s7 =	smul.u32 $0x2800, s2;
	s8 =	sadd.s32 $0xAC200, s12  }
0xd: {  	v19 =	vor.u32 $0xE0, v1;
	v20 =	vor.u32 $0xF0, v1;
	v4 =	vmul.u32 $0x8, v4;
	s10 =	sadd.s32 $0xFC200, s12;
	s12 =	sshrl.u32 s14, $0x3;
	s14 =	simm.s32 $0x400  }
.LBB2_1:
0xe: {  	[spmem:s12], [sflag:s9] =	dma.local [hbm:s8], $0x2800  }
0xf: {  	_ =	swait.ge [sflag:s13], $0x2800  }
0x10: {  	[sflag:s13] =	ssyncset.done $0x0  }
0x11: {  	[sflag:s13] =	ssyncadd.s32 $0xFFFFD800  }
0x12: {  	s19 =	simm.s32 $0x0;
	[bflag:$0x0] =	sbarrier.arrive $0xFFFF  }
.LBB2_2:
0x13: {  	s20 =	sshll.u32 s19, $0xA  }
0x14: {  	s20 =	sadd.s32 s7, s20  }
0x15: {  	s21 =	sshrl.u32 s20, $0x3  }
0x16: {  	s20 =	simm.s32 $0x0;
	s22 =	sadd.s32 s5, s21  }
0x17: {  	[tilespmem:s20], [sflag:$0x3] =	stream.linear.gather [hbm4b:s22+s20], $0x400, $0x38;
	[tilespmem:$0x1CA00] =	vst v63  }
0x18: {  	_ =	swait.ge [sflag:s13], $0x400  }
0x19: {  	[sflag:s13] =	ssyncset.done $0x0  }
0x1a: {  	s21 =	sadd.s32 s6, s21;
	[sflag:s13] =	ssyncadd.s32 $0xFFFFFC00  }
0x1b: {  	[tilespmem:s14], [sflag:$0x3] =	stream.linear.gather [hbm4b:s21+s20], $0x400, $0x38;
	[tilespmem:$0x1CA00] =	vst v63  }
0x1c: {  	_ =	swait.ge [sflag:s13], $0x400  }
0x1d: {  	[sflag:s13] =	ssyncset.done $0x0  }
0x1e: {  	p0 =	por $0x0, $0x0;
	s21 =	simm.s32 $0x0;
	[sflag:s13] =	ssyncadd.s32 $0xFFFFFC00  }
.LBB2_3:
0x1f: {  	s22 =	sshll.u32 s21, $0x5  }
0x20: {  	v21 =	vld [tilespmem:s22+$0x0];
	_ =	sdelay $0x4  }
0x21: {  	[tilespmem:$0x800] =	vst v21  }
0x22: {  	v21 =	vld [tilespmem:s22+$0x400];
	_ =	sdelay $0x4  }
0x23: {  	v21 =	vsub.s32 v21, v0  }
0x24: {  	vm1 =	vlt.u32 v21, $0x1400  }
0x25: {  	v21 =	vsel vm1, v21, v2  }
0x26: {  	v21 =	vshll.u32 v21, $0x8  }
0x27: {  	[tilespmem:$0x880] =	vst v21  }
0x28: {  	v21 =	vld [tilespmem:s22+$0x10]  }
0x29: {  	v22 =	vld [tilespmem:$0x800];
	_ =	sdelay $0x3  }
0x2a: {  	[tilespmem:$0x810] =	vst v21  }
0x2b: {  	v23 =	vshll.u32 v22, $0x1;
	v21 =	vld [tilespmem:s22+$0x410]  }
0x2c: {  	v22 =	vand.u32 $0x7, v22;
	v23 =	vand.u32 $0xFFFFFFF0, v23  }
0x2d: {  	v22 =	vor.u32 v22, v23  }
0x2e: {  	v23 =	vperm.xlane v22, v3;
	_ =	sdelay $0x1  }
0x2f: {  	v22 =	vperm.xlane v22, v5;
	v23 =	vadd.s32 v4, v23;
	v21 =	vsub.s32 v21, v0  }
0x30: {  	vm1 =	vlt.u32 v21, $0x1400  }
0x31: {  	s25 =	sshll.u32 s21, $0xD;
	v22 =	vadd.s32 v4, v22;
	v21 =	vsel vm1, v21, v2  }
0x32: {  	s23 =	sand.u32 $0x2000, s25;
	v21 =	vshll.u32 v21, $0x8  }
0x33: {  	s22 =	sor.u32 $0x900, s23;
	[tilespmem:$0x890] =	vst v21  }
0x34: {  	[tilespmem:s22], [sflag:$0x2] =	stream.indirect_vreg.gather [hbm4b:s4+s3], $0x80, v23, vm0, $0xb8;
	[tilespmem:$0x1CA00] =	vst v63  }
0x35: {  	s24 =	sor.u32 $0x1100, s23  }
0x36: {  	[tilespmem:s24], [sflag:$0x2] =	stream.indirect_vreg.gather [hbm4b:s4+s3], $0x80, v22, vm0, $0xb8;
	[tilespmem:$0x1CA00] =	vst v63  }
0x37: {  	v21 =	vld [tilespmem:$0x810];
	_ =	sdelay $0x4  }
0x38: {  	v22 =	vshll.u32 v21, $0x1  }
0x39: {  	v21 =	vand.u32 $0x7, v21;
	v22 =	vand.u32 $0xFFFFFFF0, v22  }
0x3a: {  	v21 =	vor.u32 v21, v22  }
0x3b: {  	v22 =	vperm.xlane v21, v3;
	_ =	sdelay $0x1  }
0x3c: {  	v21 =	vperm.xlane v21, v5;
	v22 =	vadd.s32 v4, v22;
	_ =	sdelay $0x1  }
0x3d: {  	v21 =	vadd.s32 v4, v21;
	_ =	sdelay $0x1  }
0x3e: {  	s26 =	sor.u32 $0x1900, s23  }
0x3f: {  	[tilespmem:s26], [sflag:$0x2] =	stream.indirect_vreg.gather [hbm4b:s4+s3], $0x80, v22, vm0, $0xb8;
	[tilespmem:$0x1CA00] =	vst v63  }
0x40: {  	p1 =	slt.u32 s21, $0x2;
	s23 =	sadd.s32 $0x2100, s23  }
0x41: {  	[tilespmem:s23], [sflag:$0x2] =	stream.indirect_vreg.gather [hbm4b:s4+s3], $0x80, v21, vm0, $0xb8;
	[tilespmem:$0x1CA00] =	vst v63  }
0x42: {  	s23 =	simm.s32 @!p1 $0x1  }
0x43: {  	_ =	swait.ge @!p1 [sflag:s23], $0x2000  }
0x44: {  	s30 =	sand.u32 $0x40, s20;
	[sflag:s23] =	ssyncset.done @!p1 $0x0  }
0x45: {  	s31 =	sshrl.u32 s30, $0x2;
	[sflag:s23] =	ssyncadd.s32 @!p1 $0xFFFFE000  }
0x46: {  	v21 =	vld [tilespmem:s31+$0x880];
	_ =	sdelay $0x3  }
0x47: {  	v22 =	vmov s20;
	s23 =	simm.s32 $0x1  }
0x48: {  	s23 =	simm.s32 @!p0 $0x0;
	v21 =	vperm.xlane v21, v22  }
0x49: {  	s23 =	sshll.u32 s23, $0xD  }
0x4a: {  	s23 =	sor.u32 $0x4980, s23;
	v22 =	vadd.s32 v1, v21  }
0x4b: {  	v23 =	vadd.s32 v6, v21;
	[tilespmem:s23+$0xFFFFFF80] =	vst v22  }
0x4c: {  	v22 =	vadd.s32 v7, v21;
	[tilespmem:s23+$0xFFFFFF90] =	vst v23  }
0x4d: {  	v23 =	vadd.s32 v8, v21;
	[tilespmem:s23+$0xFFFFFFA0] =	vst v22  }
0x4e: {  	v22 =	vadd.s32 v9, v21;
	[tilespmem:s23+$0xFFFFFFB0] =	vst v23  }
0x4f: {  	v23 =	vadd.s32 v10, v21;
	[tilespmem:s23+$0xFFFFFFC0] =	vst v22  }
0x50: {  	v22 =	vadd.s32 v11, v21;
	[tilespmem:s23+$0xFFFFFFD0] =	vst v23  }
0x51: {  	v23 =	vadd.s32 v12, v21;
	[tilespmem:s23+$0xFFFFFFE0] =	vst v22  }
0x52: {  	v22 =	vadd.s32 v13, v21;
	[tilespmem:s23+$0xFFFFFFF0] =	vst v23  }
0x53: {  	v23 =	vadd.s32 v14, v21;
	[tilespmem:s23+$0x0] =	vst v22  }
0x54: {  	v22 =	vadd.s32 v15, v21;
	[tilespmem:s23+$0x10] =	vst v23  }
0x55: {  	v23 =	vadd.s32 v16, v21;
	[tilespmem:s23+$0x20] =	vst v22  }
0x56: {  	v22 =	vadd.s32 v17, v21;
	[tilespmem:s23+$0x30] =	vst v23  }
0x57: {  	v23 =	vadd.s32 v18, v21;
	[tilespmem:s23+$0x40] =	vst v22  }
0x58: {  	s28 =	simm.s32 $0x2;
	s26 =	simm.s32 $0x4;
	v22 =	vadd.s32 v19, v21;
	[tilespmem:s23+$0x50] =	vst v23  }
0x59: {  	s24 =	simm.s32 $0x1;
	s29 =	sand.u32 $0x40, s26;
	s25 =	smov.u32 s23;
	v21 =	vadd.s32 v20, v21;
	[tilespmem:s23+$0x60] =	vst v22  }
.LBB2_4:
0x5a: {  	p1 =	sne.s32 s28, $0x1F;
	s29 =	sshrl.u32 s29, $0x2;
	[tilespmem:s25+$0x70] =	vst v21  }
0x5b: {  	v21 =	vld [tilespmem:s29+$0x880];
	_ =	sdelay $0x3  }
0x5c: {  	v22 =	vmov s24;
	s24 =	smov.u32 s28  }
0x5d: {  	v21 =	vperm.xlane v21, v22;
	_ =	sdelay $0x1  }
0x5e: {  	s25 =	sadd.s32 $0x100, s25;
	v22 =	vadd.s32 v1, v21;
	v23 =	vadd.s32 v6, v21;
	v24 =	vadd.s32 v7, v21  }
0x5f: {  	v25 =	vadd.s32 v9, v21;
	v26 =	vadd.s32 v10, v21;
	[tilespmem:s25+$0xFFFFFF80] =	vst v22;
	v22 =	vadd.s32 v8, v21  }
0x60: {  	v27 =	vadd.s32 v12, v21;
	v28 =	vadd.s32 v13, v21;
	[tilespmem:s25+$0xFFFFFF90] =	vst v23;
	v23 =	vadd.s32 v11, v21  }
0x61: {  	v29 =	vadd.s32 v15, v21;
	v30 =	vadd.s32 v16, v21;
	[tilespmem:s25+$0xFFFFFFA0] =	vst v24;
	v24 =	vadd.s32 v14, v21  }
0x62: {  	v31 =	vadd.s32 v18, v21;
	v32 =	vadd.s32 v19, v21;
	[tilespmem:s25+$0xFFFFFFB0] =	vst v22;
	v22 =	vadd.s32 v17, v21  }
0x63: {  	v21 =	vadd.s32 v20, v21;
	[tilespmem:s25+$0xFFFFFFC0] =	vst v25  }
0x64: {  	[tilespmem:s25+$0xFFFFFFD0] =	vst v26  }
0x65: {  	[tilespmem:s25+$0xFFFFFFE0] =	vst v23  }
0x66: {  	[tilespmem:s25+$0xFFFFFFF0] =	vst v27  }
0x67: {  	[tilespmem:s25+$0x0] =	vst v28  }
0x68: {  	[tilespmem:s25+$0x10] =	vst v24  }
.Ltmp0:
0x69: {  	[tilespmem:s25+$0x20] =	vst v29;
	(pc) =	sbr.rel @p1 .LBB2_4-.Ltmp0, $4  }
0x6a: {  	[tilespmem:s25+$0x30] =	vst v30  }
0x6b: {  	[tilespmem:s25+$0x40] =	vst v22  }
0x6c: {  	s26 =	sadd.s32 $0x4, s26;
	[tilespmem:s25+$0x50] =	vst v31  }
0x6d: {  	s28 =	sadd.s32 $0x1, s28;
	s29 =	sand.u32 $0x40, s26;
	[tilespmem:s25+$0x60] =	vst v32  }
0x6e: {  	s26 =	sshrl.u32 s29, $0x2;
	[tilespmem:s25+$0x70] =	vst v21  }
0x6f: {  	v21 =	vld [tilespmem:s26+$0x880];
	_ =	sdelay $0x3  }
0x70: {  	v22 =	vmov s24  }
0x71: {  	v21 =	vperm.xlane v21, v22;
	_ =	sdelay $0x1  }
0x72: {  	s28 =	sadd.s32 $0x100, s25;
	v22 =	vadd.s32 v1, v21  }
0x73: {  	v23 =	vadd.s32 v6, v21;
	[tilespmem:s28+$0xFFFFFF80] =	vst v22  }
0x74: {  	v22 =	vadd.s32 v7, v21;
	[tilespmem:s28+$0xFFFFFF90] =	vst v23  }
0x75: {  	v23 =	vadd.s32 v8, v21;
	[tilespmem:s28+$0xFFFFFFA0] =	vst v22  }
0x76: {  	v22 =	vadd.s32 v9, v21;
	[tilespmem:s28+$0xFFFFFFB0] =	vst v23  }
0x77: {  	v23 =	vadd.s32 v10, v21;
	[tilespmem:s28+$0xFFFFFFC0] =	vst v22  }
0x78: {  	v22 =	vadd.s32 v11, v21;
	[tilespmem:s28+$0xFFFFFFD0] =	vst v23  }
0x79: {  	v23 =	vadd.s32 v12, v21;
	[tilespmem:s28+$0xFFFFFFE0] =	vst v22  }
0x7a: {  	v22 =	vadd.s32 v13, v21;
	[tilespmem:s28+$0xFFFFFFF0] =	vst v23  }
0x7b: {  	v23 =	vadd.s32 v14, v21;
	[tilespmem:s28+$0x0] =	vst v22  }
0x7c: {  	v22 =	vadd.s32 v15, v21;
	[tilespmem:s28+$0x10] =	vst v23  }
0x7d: {  	v23 =	vadd.s32 v16, v21;
	[tilespmem:s28+$0x20] =	vst v22  }
0x7e: {  	v22 =	vadd.s32 v17, v21;
	[tilespmem:s28+$0x30] =	vst v23  }
0x7f: {  	v23 =	vadd.s32 v18, v21;
	[tilespmem:s28+$0x40] =	vst v22  }
0x80: {  	v22 =	vadd.s32 v19, v21;
	[tilespmem:s28+$0x50] =	vst v23  }
0x81: {  	v21 =	vadd.s32 v20, v21;
	[tilespmem:s28+$0x60] =	vst v22  }
0x82: {  	s29 =	simm.s32 $0x0;
	[tilespmem:s28+$0x70] =	vst v21  }
0x83: {  	s30 =	sand.u32 $0x1800, s29;
	_ =	swait.ge [sflag:s16], $0x2000  }
0x84: {  	s24 =	sand.u32 $0x380, s29;
	s25 =	sadd.s32 s30, s22;
	[sflag:s16] =	ssyncset.done $0x0  }
0x85: {  	s31 =	sadd.s32 $0xFFFFFF80, s23;
	s24 =	sadd.s32 s24, s25;
	[sflag:s16] =	ssyncadd.s32 $0xFFFFE000  }
0x86: {  	[spmem:s1] =	stream.indirect.scatter.add.f32 [tilespmem:s24], [sflag:$0x1], $0x1, s31, s17, $0xb8;
	[tilespmem:$0x1CA00] =	vst v63  }
0x87: {  	s24 =	sadd.s32 $0x400, s24  }
0x88: {  	[spmem:s1] =	stream.indirect.scatter.add.f32 [tilespmem:s24], [sflag:$0x1], $0x1, s23, s17, $0xb8;
	[tilespmem:$0x1CA00] =	vst v63  }
0x89: {  	s25 =	simm.s32 $0x80;
	s24 =	simm.s32 $0x100  }
.LBB2_6:
0x8a: {  	s26 =	sand.u32 $0x1800, s24  }
0x8b: {  	p1 =	sne.s32 s24, $0x1F00;
	s24 =	sadd.s32 $0x100, s24;
	s28 =	sand.u32 $0x380, s25  }
.Ltmp1:
0x8c: {  	s23 =	sadd.s32 $0x100, s23;
	s26 =	sadd.s32 s26, s22;
	(pc) =	sbr.rel @p1 .LBB2_6-.Ltmp1, $4  }
0x8d: {  	s26 =	sadd.s32 s28, s26;
	s28 =	sadd.s32 $0xFFFFFF80, s23  }
0x8e: {  	[spmem:s1] =	stream.indirect.scatter.add.f32 [tilespmem:s26], [sflag:$0x1], $0x1, s28, s17, $0xb8;
	[tilespmem:$0x1CA00] =	vst v63  }
0x8f: {  	s25 =	sadd.s32 $0x80, s25;
	s26 =	sadd.s32 $0x400, s26  }
0x90: {  	[spmem:s1] =	stream.indirect.scatter.add.f32 [tilespmem:s26], [sflag:$0x1], $0x1, s23, s17, $0xb8;
	[tilespmem:$0x1CA00] =	vst v63  }
0x91: {  	s21 =	sadd.s32 $0x1, s21  }
0x92: {  	p1 =	sne.s32 s21, $0x20  }
.Ltmp2:
0x93: {  	_ = 	snop;
	(pc) =	sbr.rel @p1 .LBB2_3-.Ltmp2, $2  }
0x94: {  	_ =	sdelay $0x2  }
0x95: {  	p0 =	por !p0, !p0  }
0x96: {  	s19 =	sadd.s32 $0x1, s19  }
0x97: {  	_ =	swait.ge [sflag:s15], $0x2000;
	p0 =	sne.s32 s19, $0xA  }
.Ltmp3:
0x98: {  	[sflag:s15] =	ssyncset.done $0x0;
	(pc) =	sbr.rel @p0 .LBB2_2-.Ltmp3, $4  }
0x99: {  	[sflag:s15] =	ssyncadd.s32 $0xFFFFE000  }
0x9a: {  	_ =	swait.ge [sflag:s15], $0x2000  }
0x9b: {  	[sflag:s15] =	ssyncset.done $0x0  }
0x9c: {  	[sflag:s15] =	ssyncadd.s32 $0xFFFFE000  }
0x9d: {  	s18 =	sadd.s32 $0x1, s18  }
0x9e: {  	p0 =	sne.s32 s18, s11  }
.Ltmp4:
0x9f: {  	[bflag:$0x0] =	sbarrier.arrive $0xFFFF;
	(pc) =	sbr.rel @p0 .LBB2_1-.Ltmp4, $4  }
0xa0: {  	[hbm:s10], [sflag:s9] =	dma.local [spmem:s12], $0x2800  }
0xa1: {  	_ =	swait.ge [sflag:s13], $0x2800  }
0xa2: {  	[sflag:s13] =	ssyncset.done $0x0  }
0xa3: {  	[sflag:s13] =	ssyncadd.s32 $0xFFFFD800  }
0xa4: {  	_ =	sfence.sel $0x180000  }
0xa5: {  	[bflag:$0x0] =	sbarrier.arrive $0xFFFF  }
0xa6: {  	p0 =	sne.s32 s2, $0x0;
	_ =	strace $0x9000004A  }
0xa7: {  	s0 =	sadd.s32 @!p0 $0x100000, s0;
	[bflag:$0x2] =	sbarrier.arrive $0xFFFF  }
0xa8: {  	[sflag:s0] =	ssyncadd.tile.s32 @!p0 $0x1;
	_ =	shalt  }
.Lfunc_end2:
_tile_overlayer_lowered:
.L_overlay_start_2:
0xa9: {  	(tag) =	ssettag $0x2  }
0xaa: {  	s0 =	rddreg [dreg:$0x0];
	s2 =	stileid.u32  }
0xab: {  	s1 =	rddreg [dreg:$0x1];
	p0 =	sne.s32 s2, $0x0  }
0xac: {  	s3 =	rddreg [dreg:$0x2];
	[bflag:$0x3] =	sbarrier.arrive $0xFFFF;
	s2 =	simm.s32 @!p0 $0x1C03  }
0xad: {  	[timem:s3], [sflag:s2] =	dma.local @!p0 [hbm:s0], s1  }
0xae: {  	s0 =	simm.s32 @!p0 $0x3  }
0xaf: {  	_ =	swait.ge @!p0 [sflag:s0], s1  }
0xb0: {  	s1 =	ssub.s32 @!p0 $0x0, s1;
	[sflag:s0] =	ssyncset.done @!p0 $0x0  }
0xb1: {  	[sflag:s0] =	ssyncadd.s32 @!p0 s1  }
0xb2: {  	[bflag:$0x3] =	sbarrier.arrive $0xFFFF  }
0xb3: {  	_ =	shalt  }

// kernel: kernel.7.cloned.1.call-start
scs
__scs_entry_jumppad:
0x0: {  	(pc) =	sbr.rel $0x88, $3  }
0x1: {  	(tag) =	ssettag $0x0;
	lr =	simm.s32 $0x1  }
0x2: {  	[smem:$0x3F97] =	sst lr;
	_ =	strace $0xD0000000  }
0x3: {  	_ = 	snop  }
0x4: {  	_ = 	snop  }
0x5: {  	_ = 	snop  }
0x6: {  	_ = 	snop  }
0x7: {  	_ = 	snop  }
__scs_overlays_trampoline_lowered:
0x8: {  	[smem:$0x3FA6] =	sst s0  }
0x9: {  	[smem:$0x3FA7] =	sst s1  }
0xa: {  	[smem:$0x3FA8] =	sst s2  }
0xb: {  	[smem:$0x3FA9] =	sst s3  }
0xc: {  	[smem:$0x3FAA] =	sst s4  }
0xd: {  	[smem:$0x3FAB] =	sst s5  }
0xe: {  	[smem:$0x3FAC] =	sst s6  }
0xf: {  	[smem:$0x3FAD] =	sst s7  }
0x10: {  	[smem:$0x3FAE] =	sst s8  }
0x11: {  	[smem:$0x3FAF] =	sst s9;
	s0 =	simm.s32 @!p0 $0x0  }
0x12: {  	s1 =	sld [smem:$0x3F95];
	s0 =	simm.s32 @p0 $0x1  }
0x13: {  	[smem:$0x3FB0] =	sst s0;
	s0 =	simm.s32 @!p1 $0x0  }
0x14: {  	s2 =	sld [smem:$0x3F94];
	s0 =	simm.s32 @p1 $0x1  }
0x15: {  	[smem:$0x3FB1] =	sst s0;
	s0 =	simm.s32 @!p2 $0x0  }
0x16: {  	s3 =	sld [smem:$0x3FDB];
	s0 =	simm.s32 @p2 $0x1  }
0x17: {  	s4 =	simm.s32 $0x1BF5;
	[smem:$0x3FB3] =	sst s0  }
0x18: {  	s0 =	sld [smem:$0x3F96];
	_ =	swait.ge [sflag:s4], $0x0  }
0x19: {  	s7 =	sld [smem:$0x3F97]  }
0x1a: {  	s8 =	sadd.s32 $0xFFFFE003, lr  }
0x1b: {  	s9 =	sadd.s32 $0xFFFFFEF7, lr;
	s5 =	simm.s32 $0xFFFFFFFF;
	p2 =	slt.u32 s8, $0xFFFFF086  }
0x1c: {  	p1 =	slt.u32 s9, $0xF7A;
	s5 =	simm.s32 @!p2 $0x0  }
0x1d: {  	s5 =	simm.s32 @p1 $0x1;
	p0 =	seq.s32 s7, s2  }
0x1e: {  	s7 =	smul.u32 @!p0 $0xF7A, s2;
	p2 =	seq.s32 @!p0 s5, $0x0  }
0x1f: {  	s9 =	smul.u32 $0xF7A, s1;
	s8 =	simm.s32 @!p0 $0x1BF5;
	p2 =	por !p2, p0  }
0x20: {  	[sflag:s8] =	ssyncset.s32 @!p0 $0xFFFFF086;
	s6 =	sadd.s32 @!p0 s3, s7;
	s7 =	simm.s32 @!p0 $0x108  }
0x21: {  	s3 =	sadd.s32 s3, s9;
	s6 =	sadd.s32 @!p0 $0x88, s6;
	s7 =	simm.s32 @p2 $0x1082  }
0x22: {  	[simem:s7], [sflag:s8] =	dma.local @!p0 [hbm:s6], $0xF7A  }
0x23: {  	s9 =	sor.u32 $0xD0000000, s2;
	s6 =	simm.s32 $0x108;
	_ =	swait.ge @!p0 [sflag:s8], $0x0  }
0x24: {  	s3 =	sadd.s32 $0x88, s3;
	s6 =	simm.s32 @!p1 $0x1082;
	[sflag:s4] =	ssyncset.s32 $0xFFFFF086  }
0x25: {  	[simem:s6], [sflag:s4] =	dma.local [hbm:s3], $0xF7A  }
0x26: {  	[smem:$0x3F97] =	sst s1;
	(tag) =	ssettag s2;
	_ =	strace s9  }
0x27: {  	s1 =	sld [smem:$0x3FA7]  }
0x28: {  	s2 =	sld [smem:$0x3FA8]  }
0x29: {  	s4 =	sld [smem:$0x3FAA]  }
0x2a: {  	p0 =	seq.s32 s5, $0x0;
	s5 =	sld [smem:$0x3FAB]  }
0x2b: {  	s6 =	sld [smem:$0x3FAC]  }
0x2c: {  	s7 =	sld [smem:$0x3FAD]  }
0x2d: {  	s3 =	simm.s32 $0x108;
	s8 =	sld [smem:$0x3FAE]  }
0x2e: {  	s3 =	simm.s32 @!p0 $0x1082;
	s9 =	sld [smem:$0x3FAF]  }
0x2f: {  	lr =	sadd.s32 s0, s3;
	s0 =	sld [smem:$0x3FA6]  }
0x30: {  	s3 =	sld [smem:$0x3FA9]  }
0x31: {  	[smem:$0x3FB2] =	sst s10  }
0x32: {  	s10 =	sld [smem:$0x3FB0];
	_ =	sdelay $0x3  }
0x33: {  	p0 =	seq.s32 s10, $0x1;
	s10 =	sld [smem:$0x3FB2];
	_ =	sdelay $0x3  }
0x34: {  	[smem:$0x3FB2] =	sst s10  }
0x35: {  	s10 =	sld [smem:$0x3FB1];
	_ =	sdelay $0x3  }
0x36: {  	p1 =	seq.s32 s10, $0x1;
	s10 =	sld [smem:$0x3FB2];
	_ =	sdelay $0x3  }
0x37: {  	[smem:$0x3FB2] =	sst s10  }
0x38: {  	s10 =	sld [smem:$0x3FB3]  }
0x39: {  	_ = 	snop;
	(pc) =	sbr.ind lr, $3  }
0x3a: {  	_ = 	snop  }
0x3b: {  	_ = 	snop  }
0x3c: {  	p2 =	seq.s32 s10, $0x1;
	s10 =	sld [smem:$0x3FB2]  }
0x3d: {  	_ =	shalt  }
0x3e: {  	_ =	shalt  }
0x3f: {  	_ =	shalt  }
0x40: {  	_ =	shalt  }
0x41: {  	_ =	shalt  }
0x42: {  	_ =	shalt  }
0x43: {  	_ =	shalt  }
0x44: {  	_ =	shalt  }
0x45: {  	_ =	shalt  }
0x46: {  	_ =	shalt  }
0x47: {  	_ =	shalt  }
0x48: {  	_ =	shalt  }
0x49: {  	_ =	shalt  }
0x4a: {  	_ =	shalt  }
0x4b: {  	_ =	shalt  }
0x4c: {  	_ =	shalt  }
0x4d: {  	_ =	shalt  }
0x4e: {  	_ =	shalt  }
0x4f: {  	_ =	shalt  }
0x50: {  	_ =	shalt  }
0x51: {  	_ =	shalt  }
0x52: {  	_ =	shalt  }
0x53: {  	_ =	shalt  }
0x54: {  	_ =	shalt  }
0x55: {  	_ =	shalt  }
0x56: {  	_ =	shalt  }
0x57: {  	_ =	shalt  }
0x58: {  	_ =	shalt  }
0x59: {  	_ =	shalt  }
0x5a: {  	_ =	shalt  }
0x5b: {  	_ =	shalt  }
0x5c: {  	_ =	shalt  }
0x5d: {  	_ =	shalt  }
0x5e: {  	_ =	shalt  }
0x5f: {  	_ =	shalt  }
0x60: {  	_ =	shalt  }
0x61: {  	_ =	shalt  }
0x62: {  	_ =	shalt  }
0x63: {  	_ =	shalt  }
0x64: {  	_ =	shalt  }
0x65: {  	_ =	shalt  }
0x66: {  	_ =	shalt  }
0x67: {  	_ =	shalt  }
0x68: {  	_ =	shalt  }
0x69: {  	_ =	shalt  }
0x6a: {  	_ =	shalt  }
0x6b: {  	_ =	shalt  }
0x6c: {  	_ =	shalt  }
0x6d: {  	_ =	shalt  }
0x6e: {  	_ =	shalt  }
0x6f: {  	_ =	shalt  }
0x70: {  	_ =	shalt  }
0x71: {  	_ =	shalt  }
0x72: {  	_ =	shalt  }
0x73: {  	_ =	shalt  }
0x74: {  	_ =	shalt  }
0x75: {  	_ =	shalt  }
0x76: {  	_ =	shalt  }
0x77: {  	_ =	shalt  }
0x78: {  	_ =	shalt  }
0x79: {  	_ =	shalt  }
0x7a: {  	_ =	shalt  }
0x7b: {  	_ =	shalt  }
0x7c: {  	_ =	shalt  }
0x7d: {  	_ =	shalt  }
0x7e: {  	_ =	shalt  }
0x7f: {  	_ =	shalt  }
0x80: {  	_ =	shalt  }
0x81: {  	_ =	shalt  }
0x82: {  	_ =	shalt  }
0x83: {  	_ =	shalt  }
0x84: {  	_ =	shalt  }
0x85: {  	_ =	shalt  }
0x86: {  	_ =	shalt  }
0x87: {  	_ =	shalt  }
.Lfunc_end0:
.L_simem_size_0:
called_computation_lowered:
.L_overlay_start_0:
0x88: {  	s2 =	sld [smem:$0x3FD9]  }
0x89: {  	s3 =	sld [smem:$0x3FFE];
	_ =	sdelay $0x1  }
0x8a: {  	s1 =	srdreg.scid  }
0x8b: {  	s0 =	sand.u32 $0x1, s1  }
0x8c: {  	s17 =	sshll.u32 s0, $0xA;
	s2 =	sadd.s32 s3, s2  }
0x8d: {  	s2 =	sadd.s32 s2, s17  }
0x8e: {  	[smem:$0x3FBE] =	sst s2  }
0x8f: {  	_ = 	snop  }
0x90: {  	s2 =	sld [smem:$0x3FD0];
	(tm) =	ssettm $0x1  }
0x91: {  	s18 =	sld [smem:$0x3FFB];
	_ =	sdelay $0x3  }
0x92: {  	_ =	strace s18  }
0x93: {  	s3 =	sld [smem:$0x3FFC];
	_ =	sdelay $0x3  }
0x94: {  	_ =	strace s3  }
0x95: {  	s3 =	sld [smem:$0x3FFD];
	_ =	sdelay $0x3  }
0x96: {  	_ =	strace s3  }
0x97: {  	_ =	strace $0x8FFFFFFF  }
0x98: {  	s19 =	sld [smem:$0x3FDB];
	_ =	sdelay $0x1  }
0x99: {  	s4 =	simm.s32 $_scs_section_size  }
0x9a: {  	s5 =	simm.s32 $_size__tile_overlayer_lowered;
	s6 =	simm.s32 $_tile_overlayer_lowered  }
0x9b: {  	s22 =	simm.s32 $0x1BFF;
	s21 =	sshll.u32 s6, $0x1;
	s3 =	sadd.s32 s4, s19  }
0x9c: {  	s7 =	simm.s32 $0x0;
	s20 =	sshll.u32 s5, $0x1;
	s5 =	sadd.s32 s21, s3  }
0x9d: {  	[timem:s7], [sflag:s22] =	dma.local [hbm:s5], s20  }
0x9e: {  	_ =	swait.ge [sflag:s22], s20  }
0x9f: {  	s4 =	ssub.s32 $0x0, s20;
	[sflag:s22] =	ssyncset.done $0x0  }
0xa0: {  	[sflag:s22] =	ssyncadd.s32 s4;
	_ =	sdelay $0x1  }
0xa1: {  	s23 =	simm.s32 $0x1B8B  }
0xa2: {  	_ =	swait.ge [sflag:s23], $0x1  }
0xa3: {  	[sflag:s23] =	ssyncset.done $0x0  }
0xa4: {  	s25 =	simm.s32 $0x1B8E;
	s24 =	sld [smem:$0x3FFE];
	[sflag:s23] =	ssyncadd.s32 $0xFFFFFFFF  }
0xa5: {  	s26 =	simm.s32 $execute0_lowered;
	[smem:$0x3FD2] =	sst s25  }
0xa6: {  	s5 =	sshll.u32 s26, $0x1;
	_ =	strace $0x80000046;
	[dreg:$0x1] =	wrdreg $0xFFFFFFFF  }
0xa7: {  	s28 =	simm.s32 $_size_execute0_lowered;
	s3 =	sadd.s32 s3, s5;
	[dreg:$0x0] =	wrdreg $0x0  }
0xa8: {  	s5 =	sshll.u32 s28, $0x1;
	[dreg:$0x2] =	wrdreg s3  }
0xa9: {  	[dreg:$0x3] =	wrdreg s5  }
0xaa: {  	[dreg:$0x4] =	wrdreg $0xC0  }
0xab: {  	_ =	task [dreg:s7], $0x5FFFF  }
0xac: {  	[dreg:$0x1] =	wrdreg $0xFFFFFFFF  }
0xad: {  	[dreg:$0x0] =	wrdreg $0x60  }
0xae: {  	[dreg:$0x2] =	wrdreg s2  }
0xaf: {  	[dreg:$0x3] =	wrdreg s24  }
0xb0: {  	[dreg:$0x4] =	wrdreg $0x17800  }
0xb1: {  	[dreg:$0x5] =	wrdreg $0x9  }
0xb2: {  	_ =	task.clear_ibuf [dreg:s7], $0x6FFFF;
	_ =	strace $0x90000046  }
0xb3: {  	s29 =	simm.s32 $0x9;
	_ =	strace $0x80000048  }
0xb4: {  	_ =	swait.ge [sflag:s29], $0x1  }
0xb5: {  	[sflag:s29] =	ssyncadd.s32 $0xFFFFFFFF  }
0xb6: {  	_ =	strace $0x90000048  }
0xb7: {  	_ =	sfence  }
0xb8: {  	s30 =	sld [smem:$0x0];
	_ =	sdelay $0x2  }
0xb9: {  	s31 =	sshll.u32 s1, $0xD;
	s1 =	sshrl.u32 s1, $0x2  }
0xba: {  	s3 =	sand.u32 $0x4000, s31;
	s1 =	sadd.s32 s1, s30  }
0xbb: {  	s0 =	sor.u32 s3, s0;
	s1 =	sshll.u32 s1, $0x11  }
0xbc: {  	s0 =	sor.u32 s1, s0  }
0xbd: {  	s0 =	sadd.s32 $0x8F2B, s0  }
0xbe: {  	[sflag:s0] =	ssyncadd.remote.s32 $0x1  }
0xbf: {  	_ =	sfence.sel $0xFFFF  }
0xc0: {  	[dreg:$0x0] =	wrdreg $0xFFFFFFFF;
	(pc) =	sbr.abs _section_cstart, $3  }
0xc1: {  	[dreg:$0x1] =	wrdreg $0xFFFFFFFF  }
0xc2: {  	_ =	task.clear_ibuf [dreg:s7], $0x2FFFF;
	_ =	strace $0x9FFFFFFF  }
0xc3: {  	(tm) =	ssettm $0x7FFFFFFF  }
tec
execute0_lowered:
.L_overlay_start_1:
0x0: {  	(tag) =	ssettag $0x1  }
0x1: {  	s5 =	rddreg [dreg:$0x0]  }
0x2: {  	s4 =	rddreg [dreg:$0x1]  }
0x3: {  	s2 =	rddreg [dreg:$0x2]  }
0x4: {  	s0 =	rddreg [dreg:$0x3];
	s6 =	srdreg.scid  }
0x5: {  	s3 =	simm.s32 $0x0;
	s1 =	stileid.u32;
	s11 =	simm.s32 $0x400  }
0x6: {  	s12 =	simm.s32 $0x1480;
	s13 =	simm.s32 $0x1400;
	s16 =	simm.s32 $0x20  }
0x7: {  	s17 =	simm.s32 $0x10;
	s18 =	simm.s32 $0x0;
	s7 =	smul.u32 $0x500, s1  }
0x8: {  	s6 =	sand.u32 $0x1, s6;
	[smem:$0x7FF] =	sst s3;
	s26 =	smul.u32 $0xA00, s1  }
0x9: {  	s10 =	sshll.u32 s1, $0x7;
	s14 =	sshll.u32 s1, $0x6;
	s8 =	sshll.u32 s6, $0x4  }
0xa: {  	_ =	strace $0x80000047;
	s9 =	sshll.u32 s6, $0x7;
	s28 =	ssub.s32 $0x2, s6  }
0xb: {  	s29 =	sand.u32 $0x380, s10;
	s10 =	simm.s32 $0x80;
	s8 =	sor.u32 s1, s8  }
0xc: {  	s14 =	sor.u32 $0x1C01, s14;
	s7 =	sor.u32 s9, s7;
	s8 =	sshrl.u32 s8, $0x3  }
0xd: {  	s30 =	sshrl.u32 s28, $0x1;
	s7 =	sshrl.u32 s7, $0x3;
	s8 =	smul.u32 $0xA000, s8  }
0xe: {  	s9 =	sshrl.u32 s26, $0x2;
	s31 =	ssub.s32 s28, s30;
	s7 =	sadd.s32 s7, s4  }
0xf: {  	s4 =	sadd.s32 s9, s2;
	s9 =	simm.s32 $0x1;
	s6 =	sor.u32 s29, s8  }
0x10: {  	s15 =	sshrl.u32 s4, $0x3;
	s8 =	simm.s32 $0x1500;
	s6 =	sshrl.u32 s6, $0x3  }
0x11: {  	v0 =	vimm.f32 $0.0e+00;
	v1 =	vimm.f32 $1.000000000e+00;
	s5 =	sadd.s32 s5, s6;
	s6 =	sadd.s32 $0x6800, s7;
	s7 =	smax.u32 s31, $0x1  }
.LBB2_1:
0x12: {  	[tilespmem:$0x1500] =	vst v0  }
0x13: {  	[tilespmem:$0x1510] =	vst v0  }
0x14: {  	[tilespmem:$0x1520] =	vst v0  }
0x15: {  	[tilespmem:$0x1530] =	vst v0  }
0x16: {  	[tilespmem:$0x1540] =	vst v0  }
0x17: {  	[tilespmem:$0x1550] =	vst v0  }
0x18: {  	[tilespmem:$0x1560] =	vst v0  }
0x19: {  	[tilespmem:$0x1570] =	vst v0  }
0x1a: {  	[tilespmem:$0x1580] =	vst v0  }
0x1b: {  	[tilespmem:$0x1590] =	vst v0  }
0x1c: {  	[tilespmem:$0x15A0] =	vst v0  }
0x1d: {  	[tilespmem:$0x15B0] =	vst v0  }
0x1e: {  	[tilespmem:$0x15C0] =	vst v0  }
0x1f: {  	[tilespmem:$0x15D0] =	vst v0  }
0x20: {  	[tilespmem:$0x15E0] =	vst v0  }
0x21: {  	[tilespmem:$0x15F0] =	vst v0  }
0x22: {  	[tilespmem:$0x1600] =	vst v0  }
0x23: {  	[tilespmem:$0x1610] =	vst v0  }
0x24: {  	[tilespmem:$0x1620] =	vst v0  }
0x25: {  	[tilespmem:$0x1630] =	vst v0  }
0x26: {  	[tilespmem:$0x1640] =	vst v0  }
0x27: {  	[tilespmem:$0x1650] =	vst v0  }
0x28: {  	[tilespmem:$0x1660] =	vst v0  }
0x29: {  	[tilespmem:$0x1670] =	vst v0  }
0x2a: {  	[tilespmem:$0x1680] =	vst v0  }
0x2b: {  	[tilespmem:$0x1690] =	vst v0  }
0x2c: {  	[tilespmem:$0x16A0] =	vst v0  }
0x2d: {  	[tilespmem:$0x16B0] =	vst v0  }
0x2e: {  	[tilespmem:$0x16C0] =	vst v0  }
0x2f: {  	[tilespmem:$0x16D0] =	vst v0  }
0x30: {  	[tilespmem:$0x16E0] =	vst v0  }
0x31: {  	[tilespmem:$0x16F0] =	vst v0  }
0x32: {  	[tilespmem:$0x1700] =	vst v0  }
0x33: {  	[tilespmem:$0x1710] =	vst v0  }
0x34: {  	[tilespmem:$0x1720] =	vst v0  }
0x35: {  	[tilespmem:$0x1730] =	vst v0  }
0x36: {  	[tilespmem:$0x1740] =	vst v0  }
0x37: {  	[tilespmem:$0x1750] =	vst v0  }
0x38: {  	[tilespmem:$0x1760] =	vst v0  }
0x39: {  	[tilespmem:$0x1770] =	vst v0  }
0x3a: {  	[spmem:s4] =	stream.linear.scatter [tilespmem:s8], [sflag:$0x1], $0x280, $0x38;
	[tilespmem:$0x1A00] =	vst v63  }
0x3b: {  	_ =	swait.ge [sflag:s9], $0x280  }
0x3c: {  	[sflag:s9] =	ssyncset.done $0x0  }
0x3d: {  	[sflag:s9] =	ssyncadd.s32 $0xFFFFFD80  }
0x3e: {  	[tilespmem:$0x1400] =	vst v1  }
0x3f: {  	[tilespmem:$0x1410] =	vst v1  }
0x40: {  	[tilespmem:$0x1420] =	vst v1  }
0x41: {  	[tilespmem:$0x1430] =	vst v1  }
0x42: {  	[tilespmem:$0x1440] =	vst v1  }
0x43: {  	[tilespmem:$0x1450] =	vst v1  }
0x44: {  	[tilespmem:$0x1460] =	vst v1  }
0x45: {  	[tilespmem:$0x1470] =	vst v1  }
0x46: {  	[tilespmem:s3], [sflag:$0x1] =	stream.strided.gather [hbm4b:s5+s10], $0x1400, s11, s10, $0x38;
	[tilespmem:$0x1A00] =	vst v63  }
0x47: {  	_ =	swait.ge [sflag:s9], $0x1400  }
0x48: {  	[sflag:s9] =	ssyncset.done $0x0  }
0x49: {  	[sflag:s9] =	ssyncadd.s32 $0xFFFFEC00  }
0x4a: {  	s19 =	simm.s32 $0x0;
	[bflag:$0x0] =	sbarrier.arrive $0xFFFF  }
0x4b: {  	v2 =	vld [tilespmem:s19+$0x0];
	_ =	sdelay $0x4  }
0x4c: {  	[tilespmem:$0x1480] =	vst v2  }
0x4d: {  	v2 =	vld [tilespmem:s19+$0x10];
	_ =	sdelay $0x4  }
0x4e: {  	[tilespmem:$0x1490] =	vst v2  }
0x4f: {  	v2 =	vld [tilespmem:s19+$0x20];
	_ =	sdelay $0x4  }
0x50: {  	[tilespmem:$0x14A0] =	vst v2  }
0x51: {  	v2 =	vld [tilespmem:s19+$0x30];
	_ =	sdelay $0x4  }
0x52: {  	[tilespmem:$0x14B0] =	vst v2  }
0x53: {  	v2 =	vld [tilespmem:s19+$0x40];
	_ =	sdelay $0x4  }
0x54: {  	[tilespmem:$0x14C0] =	vst v2  }
0x55: {  	v2 =	vld [tilespmem:s19+$0x50];
	_ =	sdelay $0x4  }
0x56: {  	[tilespmem:$0x14D0] =	vst v2  }
0x57: {  	v2 =	vld [tilespmem:s19+$0x60];
	_ =	sdelay $0x4  }
0x58: {  	[tilespmem:$0x14E0] =	vst v2  }
0x59: {  	v2 =	vld [tilespmem:s19+$0x70];
	_ =	sdelay $0x4  }
0x5a: {  	[tilespmem:$0x14F0] =	vst v2  }
0x5b: {  	[spmem:s2] =	stream.indirect.scatter.add.f32 [tilespmem:s13], [sflag:$0x1], $0x1, s12, s10, $0xb8;
	[tilespmem:$0x1A00] =	vst v63  }
0x5c: {  	_ =	swait.ge [sflag:s9], $0x80  }
0x5d: {  	s21 =	simm.s32 $0x400;
	s19 =	simm.s32 $0x200;
	[sflag:s9] =	ssyncset.done $0x0  }
.LBB2_2:
0x5e: {  	s22 =	sshra.s32 s19, $0x2  }
0x5f: {  	[sflag:s9] =	ssyncadd.s32 $0xFFFFFF80;
	s19 =	smov.u32 s21;
	s20 =	sadd.s32 $0x200, s21  }
0x60: {  	p0 =	sne.s32 s21, $0x4E00;
	v2 =	vld [tilespmem:s22+$0x0];
	_ =	sdelay $0x4  }
0x61: {  	[tilespmem:$0x1480] =	vst v2  }
0x62: {  	v2 =	vld [tilespmem:s22+$0x10];
	_ =	sdelay $0x4  }
0x63: {  	[tilespmem:$0x1490] =	vst v2  }
0x64: {  	v2 =	vld [tilespmem:s22+$0x20];
	_ =	sdelay $0x4  }
0x65: {  	[tilespmem:$0x14A0] =	vst v2  }
0x66: {  	v2 =	vld [tilespmem:s22+$0x30];
	_ =	sdelay $0x4  }
0x67: {  	[tilespmem:$0x14B0] =	vst v2  }
0x68: {  	v2 =	vld [tilespmem:s22+$0x40];
	_ =	sdelay $0x4  }
0x69: {  	[tilespmem:$0x14C0] =	vst v2  }
0x6a: {  	v2 =	vld [tilespmem:s22+$0x50];
	_ =	sdelay $0x4  }
0x6b: {  	[tilespmem:$0x14D0] =	vst v2  }
0x6c: {  	v2 =	vld [tilespmem:s22+$0x60];
	_ =	sdelay $0x4  }
0x6d: {  	[tilespmem:$0x14E0] =	vst v2  }
0x6e: {  	v2 =	vld [tilespmem:s22+$0x70];
	_ =	sdelay $0x3  }
.Ltmp0:
0x6f: {  	(pc) =	sbr.rel @p0 .LBB2_2-.Ltmp0, $4  }
0x70: {  	[tilespmem:$0x14F0] =	vst v2  }
0x71: {  	[spmem:s2] =	stream.indirect.scatter.add.f32 [tilespmem:s13], [sflag:$0x1], $0x1, s12, s10, $0xb8;
	[tilespmem:$0x1A00] =	vst v63  }
0x72: {  	_ =	swait.ge [sflag:s9], $0x80  }
0x73: {  	s21 =	smov.u32 s20;
	[sflag:s9] =	ssyncset.done $0x0  }
0x74: {  	s19 =	sshra.s32 s19, $0x2;
	[sflag:s9] =	ssyncadd.s32 $0xFFFFFF80  }
0x75: {  	v2 =	vld [tilespmem:s19+$0x0];
	_ =	sdelay $0x4  }
0x76: {  	[tilespmem:$0x1480] =	vst v2  }
0x77: {  	v2 =	vld [tilespmem:s19+$0x10];
	_ =	sdelay $0x4  }
0x78: {  	[tilespmem:$0x1490] =	vst v2  }
0x79: {  	v2 =	vld [tilespmem:s19+$0x20];
	_ =	sdelay $0x4  }
0x7a: {  	[tilespmem:$0x14A0] =	vst v2  }
0x7b: {  	v2 =	vld [tilespmem:s19+$0x30];
	_ =	sdelay $0x4  }
0x7c: {  	[tilespmem:$0x14B0] =	vst v2  }
0x7d: {  	v2 =	vld [tilespmem:s19+$0x40];
	_ =	sdelay $0x4  }
0x7e: {  	[tilespmem:$0x14C0] =	vst v2  }
0x7f: {  	v2 =	vld [tilespmem:s19+$0x50];
	_ =	sdelay $0x4  }
0x80: {  	[tilespmem:$0x14D0] =	vst v2  }
0x81: {  	v2 =	vld [tilespmem:s19+$0x60];
	_ =	sdelay $0x4  }
0x82: {  	[tilespmem:$0x14E0] =	vst v2  }
0x83: {  	v2 =	vld [tilespmem:s19+$0x70];
	_ =	sdelay $0x4  }
0x84: {  	[tilespmem:$0x14F0] =	vst v2  }
0x85: {  	[spmem:s2] =	stream.indirect.scatter.add.f32 [tilespmem:s13], [sflag:$0x1], $0x1, s12, s10, $0xb8;
	[tilespmem:$0x1A00] =	vst v63  }
0x86: {  	_ =	swait.ge [sflag:s9], $0x80  }
0x87: {  	s18 =	sadd.s32 $0x1, s18;
	[sflag:s9] =	ssyncset.done $0x0  }
0x88: {  	p0 =	sne.s32 s18, s7;
	[sflag:s9] =	ssyncadd.s32 $0xFFFFFF80  }
.Ltmp1:
0x89: {  	[bflag:$0x0] =	sbarrier.arrive $0xFFFF;
	(pc) =	sbr.rel @p0 .LBB2_1-.Ltmp1, $4  }
0x8a: {  	[hbm:s6@s16], [sflag:s14] =	dma.strided [spmem:s15@s17], $0x50, s9, $0x10   }
0x8b: {  	_ =	swait.ge [sflag:s9], $0x50  }
0x8c: {  	[sflag:s9] =	ssyncset.done $0x0  }
0x8d: {  	[sflag:s9] =	ssyncadd.s32 $0xFFFFFFB0  }
0x8e: {  	_ =	sfence.sel $0x180000  }
0x8f: {  	[bflag:$0x0] =	sbarrier.arrive $0xFFFF  }
0x90: {  	p0 =	sne.s32 s1, $0x0;
	_ =	strace $0x90000047  }
0x91: {  	s0 =	sadd.s32 @!p0 $0x100000, s0;
	[bflag:$0x2] =	sbarrier.arrive $0xFFFF  }
0x92: {  	[sflag:s0] =	ssyncadd.tile.s32 @!p0 $0x1;
	_ =	shalt  }
.Lfunc_end2:
_tile_overlayer_lowered:
.L_overlay_start_2:
0x93: {  	(tag) =	ssettag $0x2  }
0x94: {  	s0 =	rddreg [dreg:$0x0];
	s2 =	stileid.u32  }
0x95: {  	s1 =	rddreg [dreg:$0x1];
	p0 =	sne.s32 s2, $0x0  }
0x96: {  	s3 =	rddreg [dreg:$0x2];
	[bflag:$0x3] =	sbarrier.arrive $0xFFFF;
	s2 =	simm.s32 @!p0 $0x1C01  }
0x97: {  	[timem:s3], [sflag:s2] =	dma.local @!p0 [hbm:s0], s1  }
0x98: {  	s0 =	simm.s32 @!p0 $0x1  }
0x99: {  	_ =	swait.ge @!p0 [sflag:s0], s1  }
0x9a: {  	s1 =	ssub.s32 @!p0 $0x0, s1;
	[sflag:s0] =	ssyncset.done @!p0 $0x0  }
0x9b: {  	[sflag:s0] =	ssyncadd.s32 @!p0 s1  }
0x9c: {  	[bflag:$0x3] =	sbarrier.arrive $0xFFFF  }
0x9d: {  	_ =	shalt  }

</sc_bundles>
